<compile_context>
chip_gen: v7x
topology: tpu7x:2x2x1
jax: 0.10.2.dev20260603
libtpu: 0.0.44.dev20260713+nightly
codegen_flags: <defaults>
</compile_context>

<pallas_src>
import functools

import jax
import jax.numpy as jnp
from jax import lax
from jax.experimental import pallas as pl
from jax.experimental.pallas import tpu as pltpu
from jax.experimental.pallas import tpu_sc as plsc

N_NODES = 10000
N_EDGES = 320000
D_IN = 128
D_HID = 128
D_OUT = 64

NPAD = 10240
ACC_N = 10240
N_TILES = 32
EDGES_PER_TILE = N_EDGES // N_TILES
CHUNK = 128
N_CHUNKS = 79
ROWS_PER_TILE = ACC_N // 16
DEG_W = 16

_MESH = dict(core_axis_name="c", subcore_axis_name="s")


def _zero_fill(buf, rows, width):
    @pl.loop(0, rows)
    def _(r):
        @pl.loop(0, width, step=16)
        def _(cc):
            buf[r, pl.ds(cc, 16)] = jnp.zeros((16,), jnp.float32)


def _zero_acc(acc, zbuf, s):
    base = s * ROWS_PER_TILE

    @pl.loop(0, 512, step=CHUNK)
    def _(k):
        pltpu.sync_copy(zbuf, acc.at[pl.ds(base + k, CHUNK)])

    pltpu.sync_copy(zbuf.at[pl.ds(0, ROWS_PER_TILE - 512)],
                    acc.at[pl.ds(base + 512, ROWS_PER_TILE - 512)])


def _readout(acc, out_hbm, c, s):
    pltpu.sync_copy(acc.at[pl.ds(s * ROWS_PER_TILE, ROWS_PER_TILE)],
                    out_hbm.at[c, pl.ds(s * ROWS_PER_TILE, ROWS_PER_TILE)])


def _deg_kernel(dst_hbm, out_hbm, acc, dstbuf, ones, zbuf):
    c = lax.axis_index("c")
    s = lax.axis_index("s")

    @pl.loop(0, CHUNK)
    def _(r):
        ones[r, :] = jnp.full((16,), 1.0, jnp.float32)

    _zero_fill(zbuf, CHUNK, DEG_W)
    _zero_acc(acc, zbuf, s)
    plsc.subcore_barrier()

    pltpu.sync_copy(dst_hbm.at[c, s], dstbuf)

    @pl.loop(0, N_CHUNKS)
    def _(j):
        pltpu.sync_copy(ones, acc.at[dstbuf.at[j]], add=True)

    plsc.subcore_barrier()
    _readout(acc, out_hbm, c, s)


def _make_deg(dst_e):
    return pl.kernel(
        _deg_kernel,
        out_type=jax.ShapeDtypeStruct((2, NPAD, DEG_W), jnp.float32),
        mesh=plsc.VectorSubcoreMesh(**_MESH),
        scratch_types=[
            pltpu.VMEM_SHARED((ACC_N, DEG_W), jnp.float32),
            pltpu.VMEM((N_CHUNKS, CHUNK), jnp.int32),
            pltpu.VMEM((CHUNK, DEG_W), jnp.float32),
            pltpu.VMEM((CHUNK, DEG_W), jnp.float32),
        ],
    )(dst_e)


def _agg_kernel(src_hbm, dst_hbm, g_hbm, out_hbm, acc,
                srcbuf, dstbuf, rows, sem):
    c = lax.axis_index("c")
    s = lax.axis_index("s")

    _zero_fill(rows, CHUNK, D_HID)
    _zero_acc(acc, rows, s)
    plsc.subcore_barrier()

    pltpu.sync_copy(src_hbm.at[c, s], srcbuf)
    pltpu.sync_copy(dst_hbm.at[c, s], dstbuf)

    @pl.loop(0, N_CHUNKS)
    def _(j):
        pltpu.async_copy(g_hbm.at[srcbuf.at[j]], rows, sem).wait()
        pltpu.sync_copy(rows, acc.at[dstbuf.at[j]], add=True)

    plsc.subcore_barrier()
    _readout(acc, out_hbm, c, s)


def _make_agg(src_e, dst_e, g):
    return pl.kernel(
        _agg_kernel,
        out_type=jax.ShapeDtypeStruct((2, NPAD, D_HID), jnp.float32),
        mesh=plsc.VectorSubcoreMesh(**_MESH),
        scratch_types=[
            pltpu.VMEM_SHARED((ACC_N, D_HID), jnp.float32),
            pltpu.VMEM((N_CHUNKS, CHUNK), jnp.int32),
            pltpu.VMEM((N_CHUNKS, CHUNK), jnp.int32),
            pltpu.VMEM((CHUNK, D_HID), jnp.float32),
            pltpu.SemaphoreType.DMA,
        ],
    )(src_e, dst_e, g)


ROW_BLK = 256
_GRID = NPAD // ROW_BLK


def _dinv_blk(degA_ref, degB_ref):
    deg = degA_ref[:, 0:1] + degB_ref[:, 0:1] + 1.0
    return lax.rsqrt(deg)


def _mm1_body(x_ref, w_ref, o_ref):
    o_ref[...] = jnp.dot(x_ref[...], w_ref[...],
                         precision=lax.Precision.HIGHEST,
                         preferred_element_type=jnp.float32)


def _g1_body(degA_ref, degB_ref, h_ref, o_ref):
    o_ref[...] = _dinv_blk(degA_ref, degB_ref) * h_ref[...]


def _mid_body(degA_ref, degB_ref, rA_ref, rB_ref, g1_ref, b1_ref, w2_ref,
              o_ref):
    dinv = _dinv_blk(degA_ref, degB_ref)
    z = jax.nn.relu(dinv * (rA_ref[...] + rB_ref[...] + g1_ref[...])
                    + b1_ref[...])
    h2 = jnp.dot(z, w2_ref[...], precision=lax.Precision.HIGHEST,
                 preferred_element_type=jnp.float32)
    o_ref[...] = dinv * h2


def _out_body(degA_ref, degB_ref, rA_ref, rB_ref, g2_ref, b2_ref, o_ref):
    dinv = _dinv_blk(degA_ref, degB_ref)
    o_ref[...] = dinv * (rA_ref[...] + rB_ref[...] + g2_ref[...]) + b2_ref[...]


def _row_spec(width):
    return pl.BlockSpec((ROW_BLK, width), lambda i: (i, 0))


def _full_spec(shape):
    return pl.BlockSpec(shape, lambda i: tuple(0 for _ in shape))


def kernel(x, edge_index, W1, b1, W2, b2):
    src = edge_index[0].astype(jnp.int32)
    dst = edge_index[1].astype(jnp.int32)
    pad = N_CHUNKS * CHUNK - EDGES_PER_TILE
    src_e = jnp.pad(src.reshape(N_TILES, EDGES_PER_TILE), ((0, 0), (0, pad)),
                    constant_values=0).reshape(2, 16, N_CHUNKS, CHUNK)
    padvals = N_NODES + jnp.arange(pad, dtype=jnp.int32) % (ACC_N - N_NODES)
    dst_e = jnp.concatenate(
        [dst.reshape(N_TILES, EDGES_PER_TILE),
         jnp.broadcast_to(padvals, (N_TILES, pad))],
        axis=1).reshape(2, 16, N_CHUNKS, CHUNK)
    x_pad = jnp.pad(x, ((0, NPAD - N_NODES), (0, 0)))

    deg = _make_deg(dst_e)
    degA, degB = deg[0], deg[1]

    h1 = pl.pallas_call(
        _mm1_body,
        grid=(_GRID,),
        in_specs=[_row_spec(D_IN), _full_spec((D_IN, D_HID))],
        out_specs=_row_spec(D_HID),
        out_shape=jax.ShapeDtypeStruct((NPAD, D_HID), jnp.float32),
    )(x_pad, W1)

    g1 = pl.pallas_call(
        _g1_body,
        grid=(_GRID,),
        in_specs=[_row_spec(DEG_W), _row_spec(DEG_W), _row_spec(D_HID)],
        out_specs=_row_spec(D_HID),
        out_shape=jax.ShapeDtypeStruct((NPAD, D_HID), jnp.float32),
    )(degA, degB, h1)

    r1 = _make_agg(src_e, dst_e, g1)

    W2p = jnp.pad(W2, ((0, 0), (0, D_HID - D_OUT)))
    b2p = jnp.pad(b2, (0, D_HID - D_OUT))

    g2 = pl.pallas_call(
        _mid_body,
        grid=(_GRID,),
        in_specs=[_row_spec(DEG_W), _row_spec(DEG_W), _row_spec(D_HID),
                  _row_spec(D_HID), _row_spec(D_HID),
                  _full_spec((1, D_HID)), _full_spec((D_HID, D_HID))],
        out_specs=_row_spec(D_HID),
        out_shape=jax.ShapeDtypeStruct((NPAD, D_HID), jnp.float32),
    )(degA, degB, r1[0], r1[1], g1, b1.reshape(1, D_HID), W2p)

    r2 = _make_agg(src_e, dst_e, g2)

    out = pl.pallas_call(
        _out_body,
        grid=(_GRID,),
        in_specs=[_row_spec(DEG_W), _row_spec(DEG_W), _row_spec(D_HID),
                  _row_spec(D_HID), _row_spec(D_HID), _full_spec((1, D_HID))],
        out_specs=_row_spec(D_HID),
        out_shape=jax.ShapeDtypeStruct((NPAD, D_HID), jnp.float32),
    )(degA, degB, r2[0], r2[1], g2, b2p.reshape(1, D_HID))

    return out[:N_NODES, :D_OUT]

# --- scband reference (transcript-rebuilt; emitter-appended) ---
"""Pipeline reference for scband-encoder-45938970198799 (READ-ONLY COPY).

The authoritative reference and input builder live on the scoring server;
editing this copy changes nothing except your own understanding.
"""

import jax, jax.numpy as jnp
import numpy as np

N_NODES = 10000
N_EDGES = 320000
D_IN = 128
D_HID = 128
D_OUT = 64


def setup_inputs(seed: int = 0) -> dict:
    key = jax.random.key(seed)
    k1, k2, k3, k4, k5, k6 = jax.random.split(key, 6)
    x = jax.random.normal(k1, (N_NODES, D_IN), dtype=jnp.float32)
    edge_index = jax.random.randint(k2, (2, N_EDGES), 0, N_NODES, dtype=jnp.int64)
    # Glorot-style init for GCN weights
    W1 = jax.random.normal(k3, (D_IN, D_HID), dtype=jnp.float32) * (1.0 / np.sqrt(D_IN))
    b1 = jnp.zeros((D_HID,), dtype=jnp.float32)
    W2 = jax.random.normal(k4, (D_HID, D_OUT), dtype=jnp.float32) * (1.0 / np.sqrt(D_HID))
    b2 = jnp.zeros((D_OUT,), dtype=jnp.float32)
    return {"x": x, "edge_index": edge_index, "W1": W1, "b1": b1, "W2": W2, "b2": b2}


def _gcn_conv(x, src, dst, W, b, n):
    # GCNConv: out = D^{-1/2} (A + I) D^{-1/2} (x W) + b
    loop = jnp.arange(n, dtype=src.dtype)
    src2 = jnp.concatenate([src, loop])
    dst2 = jnp.concatenate([dst, loop])
    deg = jnp.zeros((n,), dtype=x.dtype).at[dst2].add(1.0)
    dinv = jnp.where(deg > 0, 1.0 / jnp.sqrt(deg), 0.0)
    norm = dinv[src2] * dinv[dst2]
    h = x @ W
    msg = h[src2] * norm[:, None]
    out = jnp.zeros((n, W.shape[1]), dtype=h.dtype).at[dst2].add(msg)
    return out + b


def reference(x, edge_index, W1, b1, W2, b2):
    src = edge_index[0]
    dst = edge_index[1]
    n = x.shape[0]
    h = jax.nn.relu(_gcn_conv(x, src, dst, W1, b1, n))
    out = _gcn_conv(h, src, dst, W2, b2, n)
    return out

if __name__ == "__main__":
    import jax
    _d = setup_inputs()
    print(jax.jit(kernel)(*tuple(_d.values())))

</pallas_src>

<mosaic_0001>
#map = affine_map<(d0, d1) -> (0, 0, 0, 0)>
#map1 = affine_map<(d0, d1) -> (0, 0)>
#map2 = affine_map<(d0, d1) -> (0, 0, 0)>
module attributes {stable_mosaic.version = 14 : i64} {
  func.func @_agg_kernel(%arg0: i32, %arg1: i32, %arg2: memref<2x16x79x128xi32, #tpu.memory_space<hbm>>, %arg3: memref<2x16x79x128xi32, #tpu.memory_space<hbm>>, %arg4: memref<10240x128xf32, #tpu.memory_space<hbm>>, %arg5: memref<2x10240x128xf32, #tpu.memory_space<hbm>>, %arg6: memref<10240x128xf32, #tpu.memory_space<vmem_shared>>, %arg7: memref<79x128xi32, #tpu.memory_space<vmem>>, %arg8: memref<79x128xi32, #tpu.memory_space<vmem>>, %arg9: memref<128x128xf32, #tpu.memory_space<vmem>>, %arg10: memref<!tpu.dma_semaphore, #tpu.memory_space<semaphore_mem>>) attributes {dimension_semantics = [#tpu.dimension_semantics<core_parallel>, #tpu.dimension_semantics<subcore_parallel>], iteration_bounds = array<i64: 2, 16>, scalar_prefetch = 0 : i64, scratch_operands = 5 : i64, tpu.core_type = #tpu.core_type<sc_vector_subcore>, window_params = [{transform_indices = #map}, {transform_indices = #map}, {transform_indices = #map1}, {transform_indices = #map2}]} {
    %scan3A = arith.constant 0 : i32
    %scan3A_0 = arith.constant 128 : i32
    %scan3A_1 = arith.addi %scan3A, %scan3A_0 : i32
    %scan3A_2 = arith.constant 1 : i32
    scf.for %scan3A_21 = %scan3A to %scan3A_1 step %scan3A_2  : i32 {
      %mul3A_22 = arith.constant 1 : i32
      %mul3A_23 = arith.muli %scan3A_21, %mul3A_22 : i32
      %add3A_24 = arith.constant 0 : i32
      %add3A_25 = arith.addi %add3A_24, %mul3A_23 : i32
      %scan3A_26 = arith.constant 0 : i32
      %scan3A_27 = arith.constant 8 : i32
      %scan3A_28 = arith.addi %scan3A_26, %scan3A_27 : i32
      %scan3A_29 = arith.constant 1 : i32
      scf.for %scan3A_31 = %scan3A_26 to %scan3A_28 step %scan3A_29  : i32 {
        %mul3A_32 = arith.constant 16 : i32
        %mul3A_33 = arith.muli %scan3A_31, %mul3A_32 : i32
        %add3A_34 = arith.constant 0 : i32
        %add3A_35 = arith.addi %add3A_34, %mul3A_33 : i32
        %broadcast_in_dim3A = arith.constant 0.000000e+00 : f32
        %broadcast_in_dim3A_36 = vector.broadcast %broadcast_in_dim3A : f32 to vector<16xf32>
        %swap3A = arith.index_cast %add3A_25 : i32 to index
        %swap3A_37 = arith.index_cast %add3A_35 : i32 to index
        %swap3A_38 = tpu.vector_load %arg9[%swap3A, %swap3A_37] {strides = array<i32>} : memref<128x128xf32, #tpu.memory_space<vmem>>, vector<1x16xf32>,
        %swap3A_39 = vector.shape_cast %swap3A_38 : vector<1x16xf32> to vector<16xf32>
        %swap3A_40 = vector.shape_cast %broadcast_in_dim3A_36 : vector<16xf32> to vector<1x16xf32>
        tpu.vector_store %arg9[%swap3A, %swap3A_37], %swap3A_40 {strides = array<i32>} : memref<128x128xf32, #tpu.memory_space<vmem>>, vector<1x16xf32>,
      }
      %scan3A_30 = arith.constant 8 : i32
    }
    %scan3A_3 = arith.constant 128 : i32
    %mul3A = arith.constant 640 : i32
    %mul3A_4 = arith.muli %arg1, %mul3A : i32
    %scan3A_5 = arith.constant 0 : i32
    %scan3A_6 = arith.constant 4 : i32
    %scan3A_7 = arith.addi %scan3A_5, %scan3A_6 : i32
    %scan3A_8 = arith.constant 1 : i32
    scf.for %scan3A_21 = %scan3A_5 to %scan3A_7 step %scan3A_8  : i32 {
      %mul3A_22 = arith.constant 128 : i32
      %mul3A_23 = arith.muli %scan3A_21, %mul3A_22 : i32
      %add3A_24 = arith.constant 0 : i32
      %add3A_25 = arith.addi %add3A_24, %mul3A_23 : i32
      %add3A_26 = arith.addi %mul3A_4, %add3A_25 : i32
      "tpu.region"() ({
        %run_scoped3A = tpu.sem_alloc : memref<!tpu.dma_semaphore, #tpu.memory_space<semaphore_mem>>
        %dma_start3A = arith.constant 0 : i32
        %dma_start3A_27 = tpu.memref_slice %arg6[%add3A_26, %dma_start3A] : memref<10240x128xf32, #tpu.memory_space<vmem_shared>> -> memref<128x128xf32, #tpu.memory_space<vmem_shared>>
        %dma_start3A_28 = arith.constant 0 : i32
        %dma_start3A_29 = tpu.memref_slice %arg6[%add3A_26, %dma_start3A_28] : memref<10240x128xf32, #tpu.memory_space<vmem_shared>> -> memref<128x128xf32, #tpu.memory_space<vmem_shared>>
        tpu.enqueue_dma source(%arg9 : memref<128x128xf32, #tpu.memory_space<vmem>>) target(%dma_start3A_29 : memref<128x128xf32, #tpu.memory_space<vmem_shared>>) target_semaphore(%run_scoped3A : memref<!tpu.dma_semaphore, #tpu.memory_space<semaphore_mem>>)
        %dma_wait3A = arith.constant 0 : i32
        %dma_wait3A_30 = tpu.memref_slice %arg6[%add3A_26, %dma_wait3A] : memref<10240x128xf32, #tpu.memory_space<vmem_shared>> -> memref<128x128xf32, #tpu.memory_space<vmem_shared>>
        %dma_wait3A_31 = arith.constant 0 : i32
        %dma_wait3A_32 = tpu.memref_slice %arg6[%add3A_26, %dma_wait3A_31] : memref<10240x128xf32, #tpu.memory_space<vmem_shared>> -> memref<128x128xf32, #tpu.memory_space<vmem_shared>>
        tpu.wait_dma2 semaphore(%run_scoped3A : memref<!tpu.dma_semaphore, #tpu.memory_space<semaphore_mem>>) src(%arg9 : memref<128x128xf32, #tpu.memory_space<vmem>>) dst(%dma_wait3A_32 : memref<128x128xf32, #tpu.memory_space<vmem_shared>>)
        tpu.yield
      }) : () -> ()
    }
    %scan3A_9 = arith.constant 4 : i32
    %add3A = arith.constant 512 : i32
    %add3A_10 = arith.addi %mul3A_4, %add3A : i32
    "tpu.region"() ({
      %run_scoped3A = tpu.sem_alloc : memref<!tpu.dma_semaphore, #tpu.memory_space<semaphore_mem>>
      %dma_start3A = arith.constant 0 : i32
      %dma_start3A_21 = arith.constant 0 : i32
      %dma_start3A_22 = tpu.memref_slice %arg9[%dma_start3A, %dma_start3A_21] : memref<128x128xf32, #tpu.memory_space<vmem>> -> memref<128x128xf32, #tpu.memory_space<vmem>>
      %dma_start3A_23 = arith.constant 0 : i32
      %dma_start3A_24 = tpu.memref_slice %arg6[%add3A_10, %dma_start3A_23] : memref<10240x128xf32, #tpu.memory_space<vmem_shared>> -> memref<128x128xf32, #tpu.memory_space<vmem_shared>>
      %dma_start3A_25 = arith.constant 0 : i32
      %dma_start3A_26 = tpu.memref_slice %arg6[%add3A_10, %dma_start3A_25] : memref<10240x128xf32, #tpu.memory_space<vmem_shared>> -> memref<128x128xf32, #tpu.memory_space<vmem_shared>>
      %dma_start3A_27 = arith.constant 0 : i32
      %dma_start3A_28 = arith.constant 0 : i32
      %dma_start3A_29 = tpu.memref_slice %arg9[%dma_start3A_27, %dma_start3A_28] : memref<128x128xf32, #tpu.memory_space<vmem>> -> memref<128x128xf32, #tpu.memory_space<vmem>>
      tpu.enqueue_dma source(%dma_start3A_29 : memref<128x128xf32, #tpu.memory_space<vmem>>) target(%dma_start3A_26 : memref<128x128xf32, #tpu.memory_space<vmem_shared>>) target_semaphore(%run_scoped3A : memref<!tpu.dma_semaphore, #tpu.memory_space<semaphore_mem>>)
      %dma_wait3A = arith.constant 0 : i32
      %dma_wait3A_30 = arith.constant 0 : i32
      %dma_wait3A_31 = tpu.memref_slice %arg9[%dma_wait3A, %dma_wait3A_30] : memref<128x128xf32, #tpu.memory_space<vmem>> -> memref<128x128xf32, #tpu.memory_space<vmem>>
      %dma_wait3A_32 = arith.constant 0 : i32
      %dma_wait3A_33 = tpu.memref_slice %arg6[%add3A_10, %dma_wait3A_32] : memref<10240x128xf32, #tpu.memory_space<vmem_shared>> -> memref<128x128xf32, #tpu.memory_space<vmem_shared>>
      %dma_wait3A_34 = arith.constant 0 : i32
      %dma_wait3A_35 = tpu.memref_slice %arg6[%add3A_10, %dma_wait3A_34] : memref<10240x128xf32, #tpu.memory_space<vmem_shared>> -> memref<128x128xf32, #tpu.memory_space<vmem_shared>>
      %dma_wait3A_36 = arith.constant 0 : i32
      %dma_wait3A_37 = arith.constant 0 : i32
      %dma_wait3A_38 = tpu.memref_slice %arg9[%dma_wait3A_36, %dma_wait3A_37] : memref<128x128xf32, #tpu.memory_space<vmem>> -> memref<128x128xf32, #tpu.memory_space<vmem>>
      tpu.wait_dma2 semaphore(%run_scoped3A : memref<!tpu.dma_semaphore, #tpu.memory_space<semaphore_mem>>) src(%dma_wait3A_38 : memref<128x128xf32, #tpu.memory_space<vmem>>) dst(%dma_wait3A_35 : memref<128x128xf32, #tpu.memory_space<vmem_shared>>)
      tpu.yield
    }) : () -> ()
    %barrier3A = arith.constant 0 : index
    tpu.barrier barrier_id(%barrier3A)
    "tpu.region"() ({
      %run_scoped3A = tpu.sem_alloc : memref<!tpu.dma_semaphore, #tpu.memory_space<semaphore_mem>>
      %dma_start3A = arith.constant 0 : i32
      %dma_start3A_21 = arith.constant 0 : i32
      %dma_start3A_22 = tpu.memref_slice %arg2[%arg0, %arg1, %dma_start3A, %dma_start3A_21] : memref<2x16x79x128xi32, #tpu.memory_space<hbm>> -> memref<1x1x79x128xi32, #tpu.memory_space<hbm>>
      %dma_start3A_23 = tpu.memref_squeeze %dma_start3A_22 : memref<1x1x79x128xi32, #tpu.memory_space<hbm>> -> memref<79x128xi32, #tpu.memory_space<hbm>>
      %dma_start3A_24 = arith.constant 0 : i32
      %dma_start3A_25 = arith.constant 0 : i32
      %dma_start3A_26 = tpu.memref_slice %arg2[%arg0, %arg1, %dma_start3A_24, %dma_start3A_25] : memref<2x16x79x128xi32, #tpu.memory_space<hbm>> -> memref<1x1x79x128xi32, #tpu.memory_space<hbm>>
      %dma_start3A_27 = tpu.memref_squeeze %dma_start3A_26 : memref<1x1x79x128xi32, #tpu.memory_space<hbm>> -> memref<79x128xi32, #tpu.memory_space<hbm>>
      tpu.enqueue_dma source(%dma_start3A_27 : memref<79x128xi32, #tpu.memory_space<hbm>>) target(%arg7 : memref<79x128xi32, #tpu.memory_space<vmem>>) target_semaphore(%run_scoped3A : memref<!tpu.dma_semaphore, #tpu.memory_space<semaphore_mem>>)
      %dma_wait3A = arith.constant 0 : i32
      %dma_wait3A_28 = arith.constant 0 : i32
      %dma_wait3A_29 = tpu.memref_slice %arg2[%arg0, %arg1, %dma_wait3A, %dma_wait3A_28] : memref<2x16x79x128xi32, #tpu.memory_space<hbm>> -> memref<1x1x79x128xi32, #tpu.memory_space<hbm>>
      %dma_wait3A_30 = tpu.memref_squeeze %dma_wait3A_29 : memref<1x1x79x128xi32, #tpu.memory_space<hbm>> -> memref<79x128xi32, #tpu.memory_space<hbm>>
      %dma_wait3A_31 = arith.constant 0 : i32
      %dma_wait3A_32 = arith.constant 0 : i32
      %dma_wait3A_33 = tpu.memref_slice %arg2[%arg0, %arg1, %dma_wait3A_31, %dma_wait3A_32] : memref<2x16x79x128xi32, #tpu.memory_space<hbm>> -> memref<1x1x79x128xi32, #tpu.memory_space<hbm>>
      %dma_wait3A_34 = tpu.memref_squeeze %dma_wait3A_33 : memref<1x1x79x128xi32, #tpu.memory_space<hbm>> -> memref<79x128xi32, #tpu.memory_space<hbm>>
      tpu.wait_dma2 semaphore(%run_scoped3A : memref<!tpu.dma_semaphore, #tpu.memory_space<semaphore_mem>>) src(%dma_wait3A_34 : memref<79x128xi32, #tpu.memory_space<hbm>>) dst(%arg7 : memref<79x128xi32, #tpu.memory_space<vmem>>)
      tpu.yield
    }) : () -> ()
    "tpu.region"() ({
      %run_scoped3A = tpu.sem_alloc : memref<!tpu.dma_semaphore, #tpu.memory_space<semaphore_mem>>
      %dma_start3A = arith.constant 0 : i32
      %dma_start3A_21 = arith.constant 0 : i32
      %dma_start3A_22 = tpu.memref_slice %arg3[%arg0, %arg1, %dma_start3A, %dma_start3A_21] : memref<2x16x79x128xi32, #tpu.memory_space<hbm>> -> memref<1x1x79x128xi32, #tpu.memory_space<hbm>>
      %dma_start3A_23 = tpu.memref_squeeze %dma_start3A_22 : memref<1x1x79x128xi32, #tpu.memory_space<hbm>> -> memref<79x128xi32, #tpu.memory_space<hbm>>
      %dma_start3A_24 = arith.constant 0 : i32
      %dma_start3A_25 = arith.constant 0 : i32
      %dma_start3A_26 = tpu.memref_slice %arg3[%arg0, %arg1, %dma_start3A_24, %dma_start3A_25] : memref<2x16x79x128xi32, #tpu.memory_space<hbm>> -> memref<1x1x79x128xi32, #tpu.memory_space<hbm>>
      %dma_start3A_27 = tpu.memref_squeeze %dma_start3A_26 : memref<1x1x79x128xi32, #tpu.memory_space<hbm>> -> memref<79x128xi32, #tpu.memory_space<hbm>>
      tpu.enqueue_dma source(%dma_start3A_27 : memref<79x128xi32, #tpu.memory_space<hbm>>) target(%arg8 : memref<79x128xi32, #tpu.memory_space<vmem>>) target_semaphore(%run_scoped3A : memref<!tpu.dma_semaphore, #tpu.memory_space<semaphore_mem>>)
      %dma_wait3A = arith.constant 0 : i32
      %dma_wait3A_28 = arith.constant 0 : i32
      %dma_wait3A_29 = tpu.memref_slice %arg3[%arg0, %arg1, %dma_wait3A, %dma_wait3A_28] : memref<2x16x79x128xi32, #tpu.memory_space<hbm>> -> memref<1x1x79x128xi32, #tpu.memory_space<hbm>>
      %dma_wait3A_30 = tpu.memref_squeeze %dma_wait3A_29 : memref<1x1x79x128xi32, #tpu.memory_space<hbm>> -> memref<79x128xi32, #tpu.memory_space<hbm>>
      %dma_wait3A_31 = arith.constant 0 : i32
      %dma_wait3A_32 = arith.constant 0 : i32
      %dma_wait3A_33 = tpu.memref_slice %arg3[%arg0, %arg1, %dma_wait3A_31, %dma_wait3A_32] : memref<2x16x79x128xi32, #tpu.memory_space<hbm>> -> memref<1x1x79x128xi32, #tpu.memory_space<hbm>>
      %dma_wait3A_34 = tpu.memref_squeeze %dma_wait3A_33 : memref<1x1x79x128xi32, #tpu.memory_space<hbm>> -> memref<79x128xi32, #tpu.memory_space<hbm>>
      tpu.wait_dma2 semaphore(%run_scoped3A : memref<!tpu.dma_semaphore, #tpu.memory_space<semaphore_mem>>) src(%dma_wait3A_34 : memref<79x128xi32, #tpu.memory_space<hbm>>) dst(%arg8 : memref<79x128xi32, #tpu.memory_space<vmem>>)
      tpu.yield
    }) : () -> ()
    %scan3A_11 = arith.constant 0 : i32
    %scan3A_12 = arith.constant 79 : i32
    %scan3A_13 = arith.addi %scan3A_11, %scan3A_12 : i32
    %scan3A_14 = arith.constant 1 : i32
    scf.for %scan3A_21 = %scan3A_11 to %scan3A_13 step %scan3A_14  : i32 {
      %mul3A_22 = arith.constant 1 : i32
      %mul3A_23 = arith.muli %scan3A_21, %mul3A_22 : i32
      %add3A_24 = arith.constant 0 : i32
      %add3A_25 = arith.addi %add3A_24, %mul3A_23 : i32
      %dma_start3A = arith.constant 0 : i32
      %dma_start3A_26 = tpu.memref_slice %arg7[%add3A_25, %dma_start3A] : memref<79x128xi32, #tpu.memory_space<vmem>> -> memref<1x128xi32, #tpu.memory_space<vmem>>
      %dma_start3A_27 = tpu.memref_squeeze %dma_start3A_26 : memref<1x128xi32, #tpu.memory_space<vmem>> -> memref<128xi32, #tpu.memory_space<vmem>>
      %dma_start3A_28 = arith.constant 0 : i32
      %dma_start3A_29 = arith.constant 0 : i32
      %dma_start3A_30 = tpu.memref_slice %arg4[%dma_start3A_28, %dma_start3A_29] : memref<10240x128xf32, #tpu.memory_space<hbm>> -> memref<10240x128xf32, #tpu.memory_space<hbm>>
      tpu.enqueue_indirect_dma source(%dma_start3A_30 : memref<10240x128xf32, #tpu.memory_space<hbm>>) target(%arg9 : memref<128x128xf32, #tpu.memory_space<vmem>>) offsets(%dma_start3A_27 : memref<128xi32, #tpu.memory_space<vmem>>) semaphore(%arg10 : memref<!tpu.dma_semaphore, #tpu.memory_space<semaphore_mem>>)
      %dma_wait3A = arith.constant 0 : i32
      %dma_wait3A_31 = tpu.memref_slice %arg7[%add3A_25, %dma_wait3A] : memref<79x128xi32, #tpu.memory_space<vmem>> -> memref<1x128xi32, #tpu.memory_space<vmem>>
      %dma_wait3A_32 = tpu.memref_squeeze %dma_wait3A_31 : memref<1x128xi32, #tpu.memory_space<vmem>> -> memref<128xi32, #tpu.memory_space<vmem>>
      %dma_wait3A_33 = arith.constant 0 : i32
      %dma_wait3A_34 = arith.constant 0 : i32
      %dma_wait3A_35 = tpu.memref_slice %arg4[%dma_wait3A_33, %dma_wait3A_34] : memref<10240x128xf32, #tpu.memory_space<hbm>> -> memref<10240x128xf32, #tpu.memory_space<hbm>>
      tpu.wait_indirect_dma semaphore(%arg10 : memref<!tpu.dma_semaphore, #tpu.memory_space<semaphore_mem>>) src(%dma_wait3A_35 : memref<10240x128xf32, #tpu.memory_space<hbm>>) dst(%arg9 : memref<128x128xf32, #tpu.memory_space<vmem>>)
      "tpu.region"() ({
        %run_scoped3A = tpu.sem_alloc : memref<!tpu.dma_semaphore, #tpu.memory_space<semaphore_mem>>
        %dma_start3A_36 = arith.constant 0 : i32
        %dma_start3A_37 = tpu.memref_slice %arg8[%add3A_25, %dma_start3A_36] : memref<79x128xi32, #tpu.memory_space<vmem>> -> memref<1x128xi32, #tpu.memory_space<vmem>>
        %dma_start3A_38 = tpu.memref_squeeze %dma_start3A_37 : memref<1x128xi32, #tpu.memory_space<vmem>> -> memref<128xi32, #tpu.memory_space<vmem>>
        %dma_start3A_39 = arith.constant 0 : i32
        %dma_start3A_40 = arith.constant 0 : i32
        %dma_start3A_41 = tpu.memref_slice %arg6[%dma_start3A_39, %dma_start3A_40] : memref<10240x128xf32, #tpu.memory_space<vmem_shared>> -> memref<10240x128xf32, #tpu.memory_space<vmem_shared>>
        tpu.enqueue_indirect_dma source(%arg9 : memref<128x128xf32, #tpu.memory_space<vmem>>) target(%dma_start3A_41 : memref<10240x128xf32, #tpu.memory_space<vmem_shared>>) offsets(%dma_start3A_38 : memref<128xi32, #tpu.memory_space<vmem>>) semaphore(%run_scoped3A : memref<!tpu.dma_semaphore, #tpu.memory_space<semaphore_mem>>) {add = true}
        %dma_wait3A_42 = arith.constant 0 : i32
        %dma_wait3A_43 = tpu.memref_slice %arg8[%add3A_25, %dma_wait3A_42] : memref<79x128xi32, #tpu.memory_space<vmem>> -> memref<1x128xi32, #tpu.memory_space<vmem>>
        %dma_wait3A_44 = tpu.memref_squeeze %dma_wait3A_43 : memref<1x128xi32, #tpu.memory_space<vmem>> -> memref<128xi32, #tpu.memory_space<vmem>>
        %dma_wait3A_45 = arith.constant 0 : i32
        %dma_wait3A_46 = arith.constant 0 : i32
        %dma_wait3A_47 = tpu.memref_slice %arg6[%dma_wait3A_45, %dma_wait3A_46] : memref<10240x128xf32, #tpu.memory_space<vmem_shared>> -> memref<10240x128xf32, #tpu.memory_space<vmem_shared>>
        tpu.wait_indirect_dma semaphore(%run_scoped3A : memref<!tpu.dma_semaphore, #tpu.memory_space<semaphore_mem>>) src(%arg9 : memref<128x128xf32, #tpu.memory_space<vmem>>) dst(%dma_wait3A_47 : memref<10240x128xf32, #tpu.memory_space<vmem_shared>>)
        tpu.yield
      }) : () -> ()
    }
    %scan3A_15 = arith.constant 79 : i32
    %barrier3A_16 = arith.constant 0 : index
    tpu.barrier barrier_id(%barrier3A_16)
    %mul3A_17 = arith.constant 640 : i32
    %mul3A_18 = arith.muli %arg1, %mul3A_17 : i32
    %mul3A_19 = arith.constant 640 : i32
    %mul3A_20 = arith.muli %arg1, %mul3A_19 : i32
    "tpu.region"() ({
      %run_scoped3A = tpu.sem_alloc : memref<!tpu.dma_semaphore, #tpu.memory_space<semaphore_mem>>
      %dma_start3A = arith.constant 0 : i32
      %dma_start3A_21 = tpu.memref_slice %arg5[%arg0, %mul3A_20, %dma_start3A] : memref<2x10240x128xf32, #tpu.memory_space<hbm>> -> memref<1x640x128xf32, #tpu.memory_space<hbm>>
      %dma_start3A_22 = tpu.memref_squeeze %dma_start3A_21 : memref<1x640x128xf32, #tpu.memory_space<hbm>> -> memref<640x128xf32, #tpu.memory_space<hbm>>
      %dma_start3A_23 = arith.constant 0 : i32
      %dma_start3A_24 = tpu.memref_slice %arg6[%mul3A_18, %dma_start3A_23] : memref<10240x128xf32, #tpu.memory_space<vmem_shared>> -> memref<640x128xf32, #tpu.memory_space<vmem_shared>>
      tpu.enqueue_dma source(%dma_start3A_24 : memref<640x128xf32, #tpu.memory_space<vmem_shared>>) target(%dma_start3A_22 : memref<640x128xf32, #tpu.memory_space<hbm>>) target_semaphore(%run_scoped3A : memref<!tpu.dma_semaphore, #tpu.memory_space<semaphore_mem>>)
      %dma_wait3A = arith.constant 0 : i32
      %dma_wait3A_25 = tpu.memref_slice %arg5[%arg0, %mul3A_20, %dma_wait3A] : memref<2x10240x128xf32, #tpu.memory_space<hbm>> -> memref<1x640x128xf32, #tpu.memory_space<hbm>>
      %dma_wait3A_26 = tpu.memref_squeeze %dma_wait3A_25 : memref<1x640x128xf32, #tpu.memory_space<hbm>> -> memref<640x128xf32, #tpu.memory_space<hbm>>
      %dma_wait3A_27 = arith.constant 0 : i32
      %dma_wait3A_28 = tpu.memref_slice %arg6[%mul3A_18, %dma_wait3A_27] : memref<10240x128xf32, #tpu.memory_space<vmem_shared>> -> memref<640x128xf32, #tpu.memory_space<vmem_shared>>
      tpu.wait_dma2 semaphore(%run_scoped3A : memref<!tpu.dma_semaphore, #tpu.memory_space<semaphore_mem>>) src(%dma_wait3A_28 : memref<640x128xf32, #tpu.memory_space<vmem_shared>>) dst(%dma_wait3A_26 : memref<640x128xf32, #tpu.memory_space<hbm>>)
      tpu.yield
    }) : () -> ()
    return
  }
}

#map = affine_map<(d0, d1) -> (0, 0, 0, 0)>
#map1 = affine_map<(d0, d1) -> (0, 0, 0)>
module attributes {stable_mosaic.version = 14 : i64} {
  func.func @_deg_kernel(%arg0: i32, %arg1: i32, %arg2: memref<2x16x79x128xi32, #tpu.memory_space<hbm>>, %arg3: memref<2x10240x16xf32, #tpu.memory_space<hbm>>, %arg4: memref<10240x16xf32, #tpu.memory_space<vmem_shared>>, %arg5: memref<79x128xi32, #tpu.memory_space<vmem>>, %arg6: memref<128x16xf32, #tpu.memory_space<vmem>>, %arg7: memref<128x16xf32, #tpu.memory_space<vmem>>) attributes {dimension_semantics = [#tpu.dimension_semantics<core_parallel>, #tpu.dimension_semantics<subcore_parallel>], iteration_bounds = array<i64: 2, 16>, scalar_prefetch = 0 : i64, scratch_operands = 4 : i64, tpu.core_type = #tpu.core_type<sc_vector_subcore>, window_params = [{transform_indices = #map}, {transform_indices = #map1}]} {
    %scan3A = arith.constant 0 : i32
    %scan3A_0 = arith.constant 128 : i32
    %scan3A_1 = arith.addi %scan3A, %scan3A_0 : i32
    %scan3A_2 = arith.constant 1 : i32
    scf.for %scan3A_26 = %scan3A to %scan3A_1 step %scan3A_2  : i32 {
      %mul3A_27 = arith.constant 1 : i32
      %mul3A_28 = arith.muli %scan3A_26, %mul3A_27 : i32
      %add3A_29 = arith.constant 0 : i32
      %add3A_30 = arith.addi %add3A_29, %mul3A_28 : i32
      %broadcast_in_dim3A = arith.constant 1.000000e+00 : f32
      %broadcast_in_dim3A_31 = vector.broadcast %broadcast_in_dim3A : f32 to vector<16xf32>
      %swap3A = arith.index_cast %add3A_30 : i32 to index
      %swap3A_32 = arith.constant 0 : index
      %swap3A_33 = tpu.vector_load %arg6[%swap3A, %swap3A_32] {strides = array<i32>} : memref<128x16xf32, #tpu.memory_space<vmem>>, vector<1x16xf32>,
      %swap3A_34 = vector.shape_cast %swap3A_33 : vector<1x16xf32> to vector<16xf32>
      %swap3A_35 = vector.shape_cast %broadcast_in_dim3A_31 : vector<16xf32> to vector<1x16xf32>
      tpu.vector_store %arg6[%swap3A, %swap3A_32], %swap3A_35 {strides = array<i32>} : memref<128x16xf32, #tpu.memory_space<vmem>>, vector<1x16xf32>,
    }
    %scan3A_3 = arith.constant 128 : i32
    %scan3A_4 = arith.constant 0 : i32
    %scan3A_5 = arith.constant 128 : i32
    %scan3A_6 = arith.addi %scan3A_4, %scan3A_5 : i32
    %scan3A_7 = arith.constant 1 : i32
    scf.for %scan3A_26 = %scan3A_4 to %scan3A_6 step %scan3A_7  : i32 {
      %mul3A_27 = arith.constant 1 : i32
      %mul3A_28 = arith.muli %scan3A_26, %mul3A_27 : i32
      %add3A_29 = arith.constant 0 : i32
      %add3A_30 = arith.addi %add3A_29, %mul3A_28 : i32
      %scan3A_31 = arith.constant 0 : i32
      %mul3A_32 = arith.constant 16 : i32
      %mul3A_33 = arith.muli %scan3A_31, %mul3A_32 : i32
      %add3A_34 = arith.constant 0 : i32
      %add3A_35 = arith.addi %add3A_34, %mul3A_33 : i32
      %broadcast_in_dim3A = arith.constant 0.000000e+00 : f32
      %broadcast_in_dim3A_36 = vector.broadcast %broadcast_in_dim3A : f32 to vector<16xf32>
      %swap3A = arith.index_cast %add3A_30 : i32 to index
      %swap3A_37 = arith.index_cast %add3A_35 : i32 to index
      %swap3A_38 = tpu.vector_load %arg7[%swap3A, %swap3A_37] {strides = array<i32>} : memref<128x16xf32, #tpu.memory_space<vmem>>, vector<1x16xf32>,
      %swap3A_39 = vector.shape_cast %swap3A_38 : vector<1x16xf32> to vector<16xf32>
      %swap3A_40 = vector.shape_cast %broadcast_in_dim3A_36 : vector<16xf32> to vector<1x16xf32>
      tpu.vector_store %arg7[%swap3A, %swap3A_37], %swap3A_40 {strides = array<i32>} : memref<128x16xf32, #tpu.memory_space<vmem>>, vector<1x16xf32>,
      %scan3A_41 = arith.constant 1 : i32
    }
    %scan3A_8 = arith.constant 128 : i32
    %mul3A = arith.constant 640 : i32
    %mul3A_9 = arith.muli %arg1, %mul3A : i32
    %scan3A_10 = arith.constant 0 : i32
    %scan3A_11 = arith.constant 4 : i32
    %scan3A_12 = arith.addi %scan3A_10, %scan3A_11 : i32
    %scan3A_13 = arith.constant 1 : i32
    scf.for %scan3A_26 = %scan3A_10 to %scan3A_12 step %scan3A_13  : i32 {
      %mul3A_27 = arith.constant 128 : i32
      %mul3A_28 = arith.muli %scan3A_26, %mul3A_27 : i32
      %add3A_29 = arith.constant 0 : i32
      %add3A_30 = arith.addi %add3A_29, %mul3A_28 : i32
      %add3A_31 = arith.addi %mul3A_9, %add3A_30 : i32
      "tpu.region"() ({
        %run_scoped3A = tpu.sem_alloc : memref<!tpu.dma_semaphore, #tpu.memory_space<semaphore_mem>>
        %dma_start3A = arith.constant 0 : i32
        %dma_start3A_32 = tpu.memref_slice %arg4[%add3A_31, %dma_start3A] : memref<10240x16xf32, #tpu.memory_space<vmem_shared>> -> memref<128x16xf32, #tpu.memory_space<vmem_shared>>
        %dma_start3A_33 = arith.constant 0 : i32
        %dma_start3A_34 = tpu.memref_slice %arg4[%add3A_31, %dma_start3A_33] : memref<10240x16xf32, #tpu.memory_space<vmem_shared>> -> memref<128x16xf32, #tpu.memory_space<vmem_shared>>
        tpu.enqueue_dma source(%arg7 : memref<128x16xf32, #tpu.memory_space<vmem>>) target(%dma_start3A_34 : memref<128x16xf32, #tpu.memory_space<vmem_shared>>) target_semaphore(%run_scoped3A : memref<!tpu.dma_semaphore, #tpu.memory_space<semaphore_mem>>)
        %dma_wait3A = arith.constant 0 : i32
        %dma_wait3A_35 = tpu.memref_slice %arg4[%add3A_31, %dma_wait3A] : memref<10240x16xf32, #tpu.memory_space<vmem_shared>> -> memref<128x16xf32, #tpu.memory_space<vmem_shared>>
        %dma_wait3A_36 = arith.constant 0 : i32
        %dma_wait3A_37 = tpu.memref_slice %arg4[%add3A_31, %dma_wait3A_36] : memref<10240x16xf32, #tpu.memory_space<vmem_shared>> -> memref<128x16xf32, #tpu.memory_space<vmem_shared>>
        tpu.wait_dma2 semaphore(%run_scoped3A : memref<!tpu.dma_semaphore, #tpu.memory_space<semaphore_mem>>) src(%arg7 : memref<128x16xf32, #tpu.memory_space<vmem>>) dst(%dma_wait3A_37 : memref<128x16xf32, #tpu.memory_space<vmem_shared>>)
        tpu.yield
      }) : () -> ()
    }
    %scan3A_14 = arith.constant 4 : i32
    %add3A = arith.constant 512 : i32
    %add3A_15 = arith.addi %mul3A_9, %add3A : i32
    "tpu.region"() ({
      %run_scoped3A = tpu.sem_alloc : memref<!tpu.dma_semaphore, #tpu.memory_space<semaphore_mem>>
      %dma_start3A = arith.constant 0 : i32
      %dma_start3A_26 = arith.constant 0 : i32
      %dma_start3A_27 = tpu.memref_slice %arg7[%dma_start3A, %dma_start3A_26] : memref<128x16xf32, #tpu.memory_space<vmem>> -> memref<128x16xf32, #tpu.memory_space<vmem>>
      %dma_start3A_28 = arith.constant 0 : i32
      %dma_start3A_29 = tpu.memref_slice %arg4[%add3A_15, %dma_start3A_28] : memref<10240x16xf32, #tpu.memory_space<vmem_shared>> -> memref<128x16xf32, #tpu.memory_space<vmem_shared>>
      %dma_start3A_30 = arith.constant 0 : i32
      %dma_start3A_31 = tpu.memref_slice %arg4[%add3A_15, %dma_start3A_30] : memref<10240x16xf32, #tpu.memory_space<vmem_shared>> -> memref<128x16xf32, #tpu.memory_space<vmem_shared>>
      %dma_start3A_32 = arith.constant 0 : i32
      %dma_start3A_33 = arith.constant 0 : i32
      %dma_start3A_34 = tpu.memref_slice %arg7[%dma_start3A_32, %dma_start3A_33] : memref<128x16xf32, #tpu.memory_space<vmem>> -> memref<128x16xf32, #tpu.memory_space<vmem>>
      tpu.enqueue_dma source(%dma_start3A_34 : memref<128x16xf32, #tpu.memory_space<vmem>>) target(%dma_start3A_31 : memref<128x16xf32, #tpu.memory_space<vmem_shared>>) target_semaphore(%run_scoped3A : memref<!tpu.dma_semaphore, #tpu.memory_space<semaphore_mem>>)
      %dma_wait3A = arith.constant 0 : i32
      %dma_wait3A_35 = arith.constant 0 : i32
      %dma_wait3A_36 = tpu.memref_slice %arg7[%dma_wait3A, %dma_wait3A_35] : memref<128x16xf32, #tpu.memory_space<vmem>> -> memref<128x16xf32, #tpu.memory_space<vmem>>
      %dma_wait3A_37 = arith.constant 0 : i32
      %dma_wait3A_38 = tpu.memref_slice %arg4[%add3A_15, %dma_wait3A_37] : memref<10240x16xf32, #tpu.memory_space<vmem_shared>> -> memref<128x16xf32, #tpu.memory_space<vmem_shared>>
      %dma_wait3A_39 = arith.constant 0 : i32
      %dma_wait3A_40 = tpu.memref_slice %arg4[%add3A_15, %dma_wait3A_39] : memref<10240x16xf32, #tpu.memory_space<vmem_shared>> -> memref<128x16xf32, #tpu.memory_space<vmem_shared>>
      %dma_wait3A_41 = arith.constant 0 : i32
      %dma_wait3A_42 = arith.constant 0 : i32
      %dma_wait3A_43 = tpu.memref_slice %arg7[%dma_wait3A_41, %dma_wait3A_42] : memref<128x16xf32, #tpu.memory_space<vmem>> -> memref<128x16xf32, #tpu.memory_space<vmem>>
      tpu.wait_dma2 semaphore(%run_scoped3A : memref<!tpu.dma_semaphore, #tpu.memory_space<semaphore_mem>>) src(%dma_wait3A_43 : memref<128x16xf32, #tpu.memory_space<vmem>>) dst(%dma_wait3A_40 : memref<128x16xf32, #tpu.memory_space<vmem_shared>>)
      tpu.yield
    }) : () -> ()
    %barrier3A = arith.constant 0 : index
    tpu.barrier barrier_id(%barrier3A)
    "tpu.region"() ({
      %run_scoped3A = tpu.sem_alloc : memref<!tpu.dma_semaphore, #tpu.memory_space<semaphore_mem>>
      %dma_start3A = arith.constant 0 : i32
      %dma_start3A_26 = arith.constant 0 : i32
      %dma_start3A_27 = tpu.memref_slice %arg2[%arg0, %arg1, %dma_start3A, %dma_start3A_26] : memref<2x16x79x128xi32, #tpu.memory_space<hbm>> -> memref<1x1x79x128xi32, #tpu.memory_space<hbm>>
      %dma_start3A_28 = tpu.memref_squeeze %dma_start3A_27 : memref<1x1x79x128xi32, #tpu.memory_space<hbm>> -> memref<79x128xi32, #tpu.memory_space<hbm>>
      %dma_start3A_29 = arith.constant 0 : i32
      %dma_start3A_30 = arith.constant 0 : i32
      %dma_start3A_31 = tpu.memref_slice %arg2[%arg0, %arg1, %dma_start3A_29, %dma_start3A_30] : memref<2x16x79x128xi32, #tpu.memory_space<hbm>> -> memref<1x1x79x128xi32, #tpu.memory_space<hbm>>
      %dma_start3A_32 = tpu.memref_squeeze %dma_start3A_31 : memref<1x1x79x128xi32, #tpu.memory_space<hbm>> -> memref<79x128xi32, #tpu.memory_space<hbm>>
      tpu.enqueue_dma source(%dma_start3A_32 : memref<79x128xi32, #tpu.memory_space<hbm>>) target(%arg5 : memref<79x128xi32, #tpu.memory_space<vmem>>) target_semaphore(%run_scoped3A : memref<!tpu.dma_semaphore, #tpu.memory_space<semaphore_mem>>)
      %dma_wait3A = arith.constant 0 : i32
      %dma_wait3A_33 = arith.constant 0 : i32
      %dma_wait3A_34 = tpu.memref_slice %arg2[%arg0, %arg1, %dma_wait3A, %dma_wait3A_33] : memref<2x16x79x128xi32, #tpu.memory_space<hbm>> -> memref<1x1x79x128xi32, #tpu.memory_space<hbm>>
      %dma_wait3A_35 = tpu.memref_squeeze %dma_wait3A_34 : memref<1x1x79x128xi32, #tpu.memory_space<hbm>> -> memref<79x128xi32, #tpu.memory_space<hbm>>
      %dma_wait3A_36 = arith.constant 0 : i32
      %dma_wait3A_37 = arith.constant 0 : i32
      %dma_wait3A_38 = tpu.memref_slice %arg2[%arg0, %arg1, %dma_wait3A_36, %dma_wait3A_37] : memref<2x16x79x128xi32, #tpu.memory_space<hbm>> -> memref<1x1x79x128xi32, #tpu.memory_space<hbm>>
      %dma_wait3A_39 = tpu.memref_squeeze %dma_wait3A_38 : memref<1x1x79x128xi32, #tpu.memory_space<hbm>> -> memref<79x128xi32, #tpu.memory_space<hbm>>
      tpu.wait_dma2 semaphore(%run_scoped3A : memref<!tpu.dma_semaphore, #tpu.memory_space<semaphore_mem>>) src(%dma_wait3A_39 : memref<79x128xi32, #tpu.memory_space<hbm>>) dst(%arg5 : memref<79x128xi32, #tpu.memory_space<vmem>>)
      tpu.yield
    }) : () -> ()
    %scan3A_16 = arith.constant 0 : i32
    %scan3A_17 = arith.constant 79 : i32
    %scan3A_18 = arith.addi %scan3A_16, %scan3A_17 : i32
    %scan3A_19 = arith.constant 1 : i32
    scf.for %scan3A_26 = %scan3A_16 to %scan3A_18 step %scan3A_19  : i32 {
      %mul3A_27 = arith.constant 1 : i32
      %mul3A_28 = arith.muli %scan3A_26, %mul3A_27 : i32
      %add3A_29 = arith.constant 0 : i32
      %add3A_30 = arith.addi %add3A_29, %mul3A_28 : i32
      "tpu.region"() ({
        %run_scoped3A = tpu.sem_alloc : memref<!tpu.dma_semaphore, #tpu.memory_space<semaphore_mem>>
        %dma_start3A = arith.constant 0 : i32
        %dma_start3A_31 = tpu.memref_slice %arg5[%add3A_30, %dma_start3A] : memref<79x128xi32, #tpu.memory_space<vmem>> -> memref<1x128xi32, #tpu.memory_space<vmem>>
        %dma_start3A_32 = tpu.memref_squeeze %dma_start3A_31 : memref<1x128xi32, #tpu.memory_space<vmem>> -> memref<128xi32, #tpu.memory_space<vmem>>
        %dma_start3A_33 = arith.constant 0 : i32
        %dma_start3A_34 = arith.constant 0 : i32
        %dma_start3A_35 = tpu.memref_slice %arg4[%dma_start3A_33, %dma_start3A_34] : memref<10240x16xf32, #tpu.memory_space<vmem_shared>> -> memref<10240x16xf32, #tpu.memory_space<vmem_shared>>
        tpu.enqueue_indirect_dma source(%arg6 : memref<128x16xf32, #tpu.memory_space<vmem>>) target(%dma_start3A_35 : memref<10240x16xf32, #tpu.memory_space<vmem_shared>>) offsets(%dma_start3A_32 : memref<128xi32, #tpu.memory_space<vmem>>) semaphore(%run_scoped3A : memref<!tpu.dma_semaphore, #tpu.memory_space<semaphore_mem>>) {add = true}
        %dma_wait3A = arith.constant 0 : i32
        %dma_wait3A_36 = tpu.memref_slice %arg5[%add3A_30, %dma_wait3A] : memref<79x128xi32, #tpu.memory_space<vmem>> -> memref<1x128xi32, #tpu.memory_space<vmem>>
        %dma_wait3A_37 = tpu.memref_squeeze %dma_wait3A_36 : memref<1x128xi32, #tpu.memory_space<vmem>> -> memref<128xi32, #tpu.memory_space<vmem>>
        %dma_wait3A_38 = arith.constant 0 : i32
        %dma_wait3A_39 = arith.constant 0 : i32
        %dma_wait3A_40 = tpu.memref_slice %arg4[%dma_wait3A_38, %dma_wait3A_39] : memref<10240x16xf32, #tpu.memory_space<vmem_shared>> -> memref<10240x16xf32, #tpu.memory_space<vmem_shared>>
        tpu.wait_indirect_dma semaphore(%run_scoped3A : memref<!tpu.dma_semaphore, #tpu.memory_space<semaphore_mem>>) src(%arg6 : memref<128x16xf32, #tpu.memory_space<vmem>>) dst(%dma_wait3A_40 : memref<10240x16xf32, #tpu.memory_space<vmem_shared>>)
        tpu.yield
      }) : () -> ()
    }
    %scan3A_20 = arith.constant 79 : i32
    %barrier3A_21 = arith.constant 0 : index
    tpu.barrier barrier_id(%barrier3A_21)
    %mul3A_22 = arith.constant 640 : i32
    %mul3A_23 = arith.muli %arg1, %mul3A_22 : i32
    %mul3A_24 = arith.constant 640 : i32
    %mul3A_25 = arith.muli %arg1, %mul3A_24 : i32
    "tpu.region"() ({
      %run_scoped3A = tpu.sem_alloc : memref<!tpu.dma_semaphore, #tpu.memory_space<semaphore_mem>>
      %dma_start3A = arith.constant 0 : i32
      %dma_start3A_26 = tpu.memref_slice %arg3[%arg0, %mul3A_25, %dma_start3A] : memref<2x10240x16xf32, #tpu.memory_space<hbm>> -> memref<1x640x16xf32, #tpu.memory_space<hbm>>
      %dma_start3A_27 = tpu.memref_squeeze %dma_start3A_26 : memref<1x640x16xf32, #tpu.memory_space<hbm>> -> memref<640x16xf32, #tpu.memory_space<hbm>>
      %dma_start3A_28 = arith.constant 0 : i32
      %dma_start3A_29 = tpu.memref_slice %arg4[%mul3A_23, %dma_start3A_28] : memref<10240x16xf32, #tpu.memory_space<vmem_shared>> -> memref<640x16xf32, #tpu.memory_space<vmem_shared>>
      tpu.enqueue_dma source(%dma_start3A_29 : memref<640x16xf32, #tpu.memory_space<vmem_shared>>) target(%dma_start3A_27 : memref<640x16xf32, #tpu.memory_space<hbm>>) target_semaphore(%run_scoped3A : memref<!tpu.dma_semaphore, #tpu.memory_space<semaphore_mem>>)
      %dma_wait3A = arith.constant 0 : i32
      %dma_wait3A_30 = tpu.memref_slice %arg3[%arg0, %mul3A_25, %dma_wait3A] : memref<2x10240x16xf32, #tpu.memory_space<hbm>> -> memref<1x640x16xf32, #tpu.memory_space<hbm>>
      %dma_wait3A_31 = tpu.memref_squeeze %dma_wait3A_30 : memref<1x640x16xf32, #tpu.memory_space<hbm>> -> memref<640x16xf32, #tpu.memory_space<hbm>>
      %dma_wait3A_32 = arith.constant 0 : i32
      %dma_wait3A_33 = tpu.memref_slice %arg4[%mul3A_23, %dma_wait3A_32] : memref<10240x16xf32, #tpu.memory_space<vmem_shared>> -> memref<640x16xf32, #tpu.memory_space<vmem_shared>>
      tpu.wait_dma2 semaphore(%run_scoped3A : memref<!tpu.dma_semaphore, #tpu.memory_space<semaphore_mem>>) src(%dma_wait3A_33 : memref<640x16xf32, #tpu.memory_space<vmem_shared>>) dst(%dma_wait3A_31 : memref<640x16xf32, #tpu.memory_space<hbm>>)
      tpu.yield
    }) : () -> ()
    return
  }
}

#map = affine_map<(d0, d1) -> (0, 0, 0, 0)>
#map1 = affine_map<(d0, d1) -> (0, 0)>
#map2 = affine_map<(d0, d1) -> (0, 0, 0)>
module attributes {stable_mosaic.version = 14 : i64} {
  func.func @_agg_kernel(%arg0: i32, %arg1: i32, %arg2: memref<2x16x79x128xi32, #tpu.memory_space<hbm>>, %arg3: memref<2x16x79x128xi32, #tpu.memory_space<hbm>>, %arg4: memref<10240x128xf32, #tpu.memory_space<hbm>>, %arg5: memref<2x10240x128xf32, #tpu.memory_space<hbm>>, %arg6: memref<10240x128xf32, #tpu.memory_space<vmem_shared>>, %arg7: memref<79x128xi32, #tpu.memory_space<vmem>>, %arg8: memref<79x128xi32, #tpu.memory_space<vmem>>, %arg9: memref<128x128xf32, #tpu.memory_space<vmem>>, %arg10: memref<!tpu.dma_semaphore, #tpu.memory_space<semaphore_mem>>) attributes {dimension_semantics = [#tpu.dimension_semantics<core_parallel>, #tpu.dimension_semantics<subcore_parallel>], iteration_bounds = array<i64: 2, 16>, scalar_prefetch = 0 : i64, scratch_operands = 5 : i64, tpu.core_type = #tpu.core_type<sc_vector_subcore>, window_params = [{transform_indices = #map}, {transform_indices = #map}, {transform_indices = #map1}, {transform_indices = #map2}]} {
    %scan3A = arith.constant 0 : i32
    %scan3A_0 = arith.constant 128 : i32
    %scan3A_1 = arith.addi %scan3A, %scan3A_0 : i32
    %scan3A_2 = arith.constant 1 : i32
    scf.for %scan3A_21 = %scan3A to %scan3A_1 step %scan3A_2  : i32 {
      %mul3A_22 = arith.constant 1 : i32
      %mul3A_23 = arith.muli %scan3A_21, %mul3A_22 : i32
      %add3A_24 = arith.constant 0 : i32
      %add3A_25 = arith.addi %add3A_24, %mul3A_23 : i32
      %scan3A_26 = arith.constant 0 : i32
      %scan3A_27 = arith.constant 8 : i32
      %scan3A_28 = arith.addi %scan3A_26, %scan3A_27 : i32
      %scan3A_29 = arith.constant 1 : i32
      scf.for %scan3A_31 = %scan3A_26 to %scan3A_28 step %scan3A_29  : i32 {
        %mul3A_32 = arith.constant 16 : i32
        %mul3A_33 = arith.muli %scan3A_31, %mul3A_32 : i32
        %add3A_34 = arith.constant 0 : i32
        %add3A_35 = arith.addi %add3A_34, %mul3A_33 : i32
        %broadcast_in_dim3A = arith.constant 0.000000e+00 : f32
        %broadcast_in_dim3A_36 = vector.broadcast %broadcast_in_dim3A : f32 to vector<16xf32>
        %swap3A = arith.index_cast %add3A_25 : i32 to index
        %swap3A_37 = arith.index_cast %add3A_35 : i32 to index
        %swap3A_38 = tpu.vector_load %arg9[%swap3A, %swap3A_37] {strides = array<i32>} : memref<128x128xf32, #tpu.memory_space<vmem>>, vector<1x16xf32>,
        %swap3A_39 = vector.shape_cast %swap3A_38 : vector<1x16xf32> to vector<16xf32>
        %swap3A_40 = vector.shape_cast %broadcast_in_dim3A_36 : vector<16xf32> to vector<1x16xf32>
        tpu.vector_store %arg9[%swap3A, %swap3A_37], %swap3A_40 {strides = array<i32>} : memref<128x128xf32, #tpu.memory_space<vmem>>, vector<1x16xf32>,
      }
      %scan3A_30 = arith.constant 8 : i32
    }
    %scan3A_3 = arith.constant 128 : i32
    %mul3A = arith.constant 640 : i32
    %mul3A_4 = arith.muli %arg1, %mul3A : i32
    %scan3A_5 = arith.constant 0 : i32
    %scan3A_6 = arith.constant 4 : i32
    %scan3A_7 = arith.addi %scan3A_5, %scan3A_6 : i32
    %scan3A_8 = arith.constant 1 : i32
    scf.for %scan3A_21 = %scan3A_5 to %scan3A_7 step %scan3A_8  : i32 {
      %mul3A_22 = arith.constant 128 : i32
      %mul3A_23 = arith.muli %scan3A_21, %mul3A_22 : i32
      %add3A_24 = arith.constant 0 : i32
      %add3A_25 = arith.addi %add3A_24, %mul3A_23 : i32
      %add3A_26 = arith.addi %mul3A_4, %add3A_25 : i32
      "tpu.region"() ({
        %run_scoped3A = tpu.sem_alloc : memref<!tpu.dma_semaphore, #tpu.memory_space<semaphore_mem>>
        %dma_start3A = arith.constant 0 : i32
        %dma_start3A_27 = tpu.memref_slice %arg6[%add3A_26, %dma_start3A] : memref<10240x128xf32, #tpu.memory_space<vmem_shared>> -> memref<128x128xf32, #tpu.memory_space<vmem_shared>>
        %dma_start3A_28 = arith.constant 0 : i32
        %dma_start3A_29 = tpu.memref_slice %arg6[%add3A_26, %dma_start3A_28] : memref<10240x128xf32, #tpu.memory_space<vmem_shared>> -> memref<128x128xf32, #tpu.memory_space<vmem_shared>>
        tpu.enqueue_dma source(%arg9 : memref<128x128xf32, #tpu.memory_space<vmem>>) target(%dma_start3A_29 : memref<128x128xf32, #tpu.memory_space<vmem_shared>>) target_semaphore(%run_scoped3A : memref<!tpu.dma_semaphore, #tpu.memory_space<semaphore_mem>>)
        %dma_wait3A = arith.constant 0 : i32
        %dma_wait3A_30 = tpu.memref_slice %arg6[%add3A_26, %dma_wait3A] : memref<10240x128xf32, #tpu.memory_space<vmem_shared>> -> memref<128x128xf32, #tpu.memory_space<vmem_shared>>
        %dma_wait3A_31 = arith.constant 0 : i32
        %dma_wait3A_32 = tpu.memref_slice %arg6[%add3A_26, %dma_wait3A_31] : memref<10240x128xf32, #tpu.memory_space<vmem_shared>> -> memref<128x128xf32, #tpu.memory_space<vmem_shared>>
        tpu.wait_dma2 semaphore(%run_scoped3A : memref<!tpu.dma_semaphore, #tpu.memory_space<semaphore_mem>>) src(%arg9 : memref<128x128xf32, #tpu.memory_space<vmem>>) dst(%dma_wait3A_32 : memref<128x128xf32, #tpu.memory_space<vmem_shared>>)
        tpu.yield
      }) : () -> ()
    }
    %scan3A_9 = arith.constant 4 : i32
    %add3A = arith.constant 512 : i32
    %add3A_10 = arith.addi %mul3A_4, %add3A : i32
    "tpu.region"() ({
      %run_scoped3A = tpu.sem_alloc : memref<!tpu.dma_semaphore, #tpu.memory_space<semaphore_mem>>
      %dma_start3A = arith.constant 0 : i32
      %dma_start3A_21 = arith.constant 0 : i32
      %dma_start3A_22 = tpu.memref_slice %arg9[%dma_start3A, %dma_start3A_21] : memref<128x128xf32, #tpu.memory_space<vmem>> -> memref<128x128xf32, #tpu.memory_space<vmem>>
      %dma_start3A_23 = arith.constant 0 : i32
      %dma_start3A_24 = tpu.memref_slice %arg6[%add3A_10, %dma_start3A_23] : memref<10240x128xf32, #tpu.memory_space<vmem_shared>> -> memref<128x128xf32, #tpu.memory_space<vmem_shared>>
      %dma_start3A_25 = arith.constant 0 : i32
      %dma_start3A_26 = tpu.memref_slice %arg6[%add3A_10, %dma_start3A_25] : memref<10240x128xf32, #tpu.memory_space<vmem_shared>> -> memref<128x128xf32, #tpu.memory_space<vmem_shared>>
      %dma_start3A_27 = arith.constant 0 : i32
      %dma_start3A_28 = arith.constant 0 : i32
      %dma_start3A_29 = tpu.memref_slice %arg9[%dma_start3A_27, %dma_start3A_28] : memref<128x128xf32, #tpu.memory_space<vmem>> -> memref<128x128xf32, #tpu.memory_space<vmem>>
      tpu.enqueue_dma source(%dma_start3A_29 : memref<128x128xf32, #tpu.memory_space<vmem>>) target(%dma_start3A_26 : memref<128x128xf32, #tpu.memory_space<vmem_shared>>) target_semaphore(%run_scoped3A : memref<!tpu.dma_semaphore, #tpu.memory_space<semaphore_mem>>)
      %dma_wait3A = arith.constant 0 : i32
      %dma_wait3A_30 = arith.constant 0 : i32
      %dma_wait3A_31 = tpu.memref_slice %arg9[%dma_wait3A, %dma_wait3A_30] : memref<128x128xf32, #tpu.memory_space<vmem>> -> memref<128x128xf32, #tpu.memory_space<vmem>>
      %dma_wait3A_32 = arith.constant 0 : i32
      %dma_wait3A_33 = tpu.memref_slice %arg6[%add3A_10, %dma_wait3A_32] : memref<10240x128xf32, #tpu.memory_space<vmem_shared>> -> memref<128x128xf32, #tpu.memory_space<vmem_shared>>
      %dma_wait3A_34 = arith.constant 0 : i32
      %dma_wait3A_35 = tpu.memref_slice %arg6[%add3A_10, %dma_wait3A_34] : memref<10240x128xf32, #tpu.memory_space<vmem_shared>> -> memref<128x128xf32, #tpu.memory_space<vmem_shared>>
      %dma_wait3A_36 = arith.constant 0 : i32
      %dma_wait3A_37 = arith.constant 0 : i32
      %dma_wait3A_38 = tpu.memref_slice %arg9[%dma_wait3A_36, %dma_wait3A_37] : memref<128x128xf32, #tpu.memory_space<vmem>> -> memref<128x128xf32, #tpu.memory_space<vmem>>
      tpu.wait_dma2 semaphore(%run_scoped3A : memref<!tpu.dma_semaphore, #tpu.memory_space<semaphore_mem>>) src(%dma_wait3A_38 : memref<128x128xf32, #tpu.memory_space<vmem>>) dst(%dma_wait3A_35 : memref<128x128xf32, #tpu.memory_space<vmem_shared>>)
      tpu.yield
    }) : () -> ()
    %barrier3A = arith.constant 0 : index
    tpu.barrier barrier_id(%barrier3A)
    "tpu.region"() ({
      %run_scoped3A = tpu.sem_alloc : memref<!tpu.dma_semaphore, #tpu.memory_space<semaphore_mem>>
      %dma_start3A = arith.constant 0 : i32
      %dma_start3A_21 = arith.constant 0 : i32
      %dma_start3A_22 = tpu.memref_slice %arg2[%arg0, %arg1, %dma_start3A, %dma_start3A_21] : memref<2x16x79x128xi32, #tpu.memory_space<hbm>> -> memref<1x1x79x128xi32, #tpu.memory_space<hbm>>
      %dma_start3A_23 = tpu.memref_squeeze %dma_start3A_22 : memref<1x1x79x128xi32, #tpu.memory_space<hbm>> -> memref<79x128xi32, #tpu.memory_space<hbm>>
      %dma_start3A_24 = arith.constant 0 : i32
      %dma_start3A_25 = arith.constant 0 : i32
      %dma_start3A_26 = tpu.memref_slice %arg2[%arg0, %arg1, %dma_start3A_24, %dma_start3A_25] : memref<2x16x79x128xi32, #tpu.memory_space<hbm>> -> memref<1x1x79x128xi32, #tpu.memory_space<hbm>>
      %dma_start3A_27 = tpu.memref_squeeze %dma_start3A_26 : memref<1x1x79x128xi32, #tpu.memory_space<hbm>> -> memref<79x128xi32, #tpu.memory_space<hbm>>
      tpu.enqueue_dma source(%dma_start3A_27 : memref<79x128xi32, #tpu.memory_space<hbm>>) target(%arg7 : memref<79x128xi32, #tpu.memory_space<vmem>>) target_semaphore(%run_scoped3A : memref<!tpu.dma_semaphore, #tpu.memory_space<semaphore_mem>>)
      %dma_wait3A = arith.constant 0 : i32
      %dma_wait3A_28 = arith.constant 0 : i32
      %dma_wait3A_29 = tpu.memref_slice %arg2[%arg0, %arg1, %dma_wait3A, %dma_wait3A_28] : memref<2x16x79x128xi32, #tpu.memory_space<hbm>> -> memref<1x1x79x128xi32, #tpu.memory_space<hbm>>
      %dma_wait3A_30 = tpu.memref_squeeze %dma_wait3A_29 : memref<1x1x79x128xi32, #tpu.memory_space<hbm>> -> memref<79x128xi32, #tpu.memory_space<hbm>>
      %dma_wait3A_31 = arith.constant 0 : i32
      %dma_wait3A_32 = arith.constant 0 : i32
      %dma_wait3A_33 = tpu.memref_slice %arg2[%arg0, %arg1, %dma_wait3A_31, %dma_wait3A_32] : memref<2x16x79x128xi32, #tpu.memory_space<hbm>> -> memref<1x1x79x128xi32, #tpu.memory_space<hbm>>
      %dma_wait3A_34 = tpu.memref_squeeze %dma_wait3A_33 : memref<1x1x79x128xi32, #tpu.memory_space<hbm>> -> memref<79x128xi32, #tpu.memory_space<hbm>>
      tpu.wait_dma2 semaphore(%run_scoped3A : memref<!tpu.dma_semaphore, #tpu.memory_space<semaphore_mem>>) src(%dma_wait3A_34 : memref<79x128xi32, #tpu.memory_space<hbm>>) dst(%arg7 : memref<79x128xi32, #tpu.memory_space<vmem>>)
      tpu.yield
    }) : () -> ()
    "tpu.region"() ({
      %run_scoped3A = tpu.sem_alloc : memref<!tpu.dma_semaphore, #tpu.memory_space<semaphore_mem>>
      %dma_start3A = arith.constant 0 : i32
      %dma_start3A_21 = arith.constant 0 : i32
      %dma_start3A_22 = tpu.memref_slice %arg3[%arg0, %arg1, %dma_start3A, %dma_start3A_21] : memref<2x16x79x128xi32, #tpu.memory_space<hbm>> -> memref<1x1x79x128xi32, #tpu.memory_space<hbm>>
      %dma_start3A_23 = tpu.memref_squeeze %dma_start3A_22 : memref<1x1x79x128xi32, #tpu.memory_space<hbm>> -> memref<79x128xi32, #tpu.memory_space<hbm>>
      %dma_start3A_24 = arith.constant 0 : i32
      %dma_start3A_25 = arith.constant 0 : i32
      %dma_start3A_26 = tpu.memref_slice %arg3[%arg0, %arg1, %dma_start3A_24, %dma_start3A_25] : memref<2x16x79x128xi32, #tpu.memory_space<hbm>> -> memref<1x1x79x128xi32, #tpu.memory_space<hbm>>
      %dma_start3A_27 = tpu.memref_squeeze %dma_start3A_26 : memref<1x1x79x128xi32, #tpu.memory_space<hbm>> -> memref<79x128xi32, #tpu.memory_space<hbm>>
      tpu.enqueue_dma source(%dma_start3A_27 : memref<79x128xi32, #tpu.memory_space<hbm>>) target(%arg8 : memref<79x128xi32, #tpu.memory_space<vmem>>) target_semaphore(%run_scoped3A : memref<!tpu.dma_semaphore, #tpu.memory_space<semaphore_mem>>)
      %dma_wait3A = arith.constant 0 : i32
      %dma_wait3A_28 = arith.constant 0 : i32
      %dma_wait3A_29 = tpu.memref_slice %arg3[%arg0, %arg1, %dma_wait3A, %dma_wait3A_28] : memref<2x16x79x128xi32, #tpu.memory_space<hbm>> -> memref<1x1x79x128xi32, #tpu.memory_space<hbm>>
      %dma_wait3A_30 = tpu.memref_squeeze %dma_wait3A_29 : memref<1x1x79x128xi32, #tpu.memory_space<hbm>> -> memref<79x128xi32, #tpu.memory_space<hbm>>
      %dma_wait3A_31 = arith.constant 0 : i32
      %dma_wait3A_32 = arith.constant 0 : i32
      %dma_wait3A_33 = tpu.memref_slice %arg3[%arg0, %arg1, %dma_wait3A_31, %dma_wait3A_32] : memref<2x16x79x128xi32, #tpu.memory_space<hbm>> -> memref<1x1x79x128xi32, #tpu.memory_space<hbm>>
      %dma_wait3A_34 = tpu.memref_squeeze %dma_wait3A_33 : memref<1x1x79x128xi32, #tpu.memory_space<hbm>> -> memref<79x128xi32, #tpu.memory_space<hbm>>
      tpu.wait_dma2 semaphore(%run_scoped3A : memref<!tpu.dma_semaphore, #tpu.memory_space<semaphore_mem>>) src(%dma_wait3A_34 : memref<79x128xi32, #tpu.memory_space<hbm>>) dst(%arg8 : memref<79x128xi32, #tpu.memory_space<vmem>>)
      tpu.yield
    }) : () -> ()
    %scan3A_11 = arith.constant 0 : i32
    %scan3A_12 = arith.constant 79 : i32
    %scan3A_13 = arith.addi %scan3A_11, %scan3A_12 : i32
    %scan3A_14 = arith.constant 1 : i32
    scf.for %scan3A_21 = %scan3A_11 to %scan3A_13 step %scan3A_14  : i32 {
      %mul3A_22 = arith.constant 1 : i32
      %mul3A_23 = arith.muli %scan3A_21, %mul3A_22 : i32
      %add3A_24 = arith.constant 0 : i32
      %add3A_25 = arith.addi %add3A_24, %mul3A_23 : i32
      %dma_start3A = arith.constant 0 : i32
      %dma_start3A_26 = tpu.memref_slice %arg7[%add3A_25, %dma_start3A] : memref<79x128xi32, #tpu.memory_space<vmem>> -> memref<1x128xi32, #tpu.memory_space<vmem>>
      %dma_start3A_27 = tpu.memref_squeeze %dma_start3A_26 : memref<1x128xi32, #tpu.memory_space<vmem>> -> memref<128xi32, #tpu.memory_space<vmem>>
      %dma_start3A_28 = arith.constant 0 : i32
      %dma_start3A_29 = arith.constant 0 : i32
      %dma_start3A_30 = tpu.memref_slice %arg4[%dma_start3A_28, %dma_start3A_29] : memref<10240x128xf32, #tpu.memory_space<hbm>> -> memref<10240x128xf32, #tpu.memory_space<hbm>>
      tpu.enqueue_indirect_dma source(%dma_start3A_30 : memref<10240x128xf32, #tpu.memory_space<hbm>>) target(%arg9 : memref<128x128xf32, #tpu.memory_space<vmem>>) offsets(%dma_start3A_27 : memref<128xi32, #tpu.memory_space<vmem>>) semaphore(%arg10 : memref<!tpu.dma_semaphore, #tpu.memory_space<semaphore_mem>>)
      %dma_wait3A = arith.constant 0 : i32
      %dma_wait3A_31 = tpu.memref_slice %arg7[%add3A_25, %dma_wait3A] : memref<79x128xi32, #tpu.memory_space<vmem>> -> memref<1x128xi32, #tpu.memory_space<vmem>>
      %dma_wait3A_32 = tpu.memref_squeeze %dma_wait3A_31 : memref<1x128xi32, #tpu.memory_space<vmem>> -> memref<128xi32, #tpu.memory_space<vmem>>
      %dma_wait3A_33 = arith.constant 0 : i32
      %dma_wait3A_34 = arith.constant 0 : i32
      %dma_wait3A_35 = tpu.memref_slice %arg4[%dma_wait3A_33, %dma_wait3A_34] : memref<10240x128xf32, #tpu.memory_space<hbm>> -> memref<10240x128xf32, #tpu.memory_space<hbm>>
      tpu.wait_indirect_dma semaphore(%arg10 : memref<!tpu.dma_semaphore, #tpu.memory_space<semaphore_mem>>) src(%dma_wait3A_35 : memref<10240x128xf32, #tpu.memory_space<hbm>>) dst(%arg9 : memref<128x128xf32, #tpu.memory_space<vmem>>)
      "tpu.region"() ({
        %run_scoped3A = tpu.sem_alloc : memref<!tpu.dma_semaphore, #tpu.memory_space<semaphore_mem>>
        %dma_start3A_36 = arith.constant 0 : i32
        %dma_start3A_37 = tpu.memref_slice %arg8[%add3A_25, %dma_start3A_36] : memref<79x128xi32, #tpu.memory_space<vmem>> -> memref<1x128xi32, #tpu.memory_space<vmem>>
        %dma_start3A_38 = tpu.memref_squeeze %dma_start3A_37 : memref<1x128xi32, #tpu.memory_space<vmem>> -> memref<128xi32, #tpu.memory_space<vmem>>
        %dma_start3A_39 = arith.constant 0 : i32
        %dma_start3A_40 = arith.constant 0 : i32
        %dma_start3A_41 = tpu.memref_slice %arg6[%dma_start3A_39, %dma_start3A_40] : memref<10240x128xf32, #tpu.memory_space<vmem_shared>> -> memref<10240x128xf32, #tpu.memory_space<vmem_shared>>
        tpu.enqueue_indirect_dma source(%arg9 : memref<128x128xf32, #tpu.memory_space<vmem>>) target(%dma_start3A_41 : memref<10240x128xf32, #tpu.memory_space<vmem_shared>>) offsets(%dma_start3A_38 : memref<128xi32, #tpu.memory_space<vmem>>) semaphore(%run_scoped3A : memref<!tpu.dma_semaphore, #tpu.memory_space<semaphore_mem>>) {add = true}
        %dma_wait3A_42 = arith.constant 0 : i32
        %dma_wait3A_43 = tpu.memref_slice %arg8[%add3A_25, %dma_wait3A_42] : memref<79x128xi32, #tpu.memory_space<vmem>> -> memref<1x128xi32, #tpu.memory_space<vmem>>
        %dma_wait3A_44 = tpu.memref_squeeze %dma_wait3A_43 : memref<1x128xi32, #tpu.memory_space<vmem>> -> memref<128xi32, #tpu.memory_space<vmem>>
        %dma_wait3A_45 = arith.constant 0 : i32
        %dma_wait3A_46 = arith.constant 0 : i32
        %dma_wait3A_47 = tpu.memref_slice %arg6[%dma_wait3A_45, %dma_wait3A_46] : memref<10240x128xf32, #tpu.memory_space<vmem_shared>> -> memref<10240x128xf32, #tpu.memory_space<vmem_shared>>
        tpu.wait_indirect_dma semaphore(%run_scoped3A : memref<!tpu.dma_semaphore, #tpu.memory_space<semaphore_mem>>) src(%arg9 : memref<128x128xf32, #tpu.memory_space<vmem>>) dst(%dma_wait3A_47 : memref<10240x128xf32, #tpu.memory_space<vmem_shared>>)
        tpu.yield
      }) : () -> ()
    }
    %scan3A_15 = arith.constant 79 : i32
    %barrier3A_16 = arith.constant 0 : index
    tpu.barrier barrier_id(%barrier3A_16)
    %mul3A_17 = arith.constant 640 : i32
    %mul3A_18 = arith.muli %arg1, %mul3A_17 : i32
    %mul3A_19 = arith.constant 640 : i32
    %mul3A_20 = arith.muli %arg1, %mul3A_19 : i32
    "tpu.region"() ({
      %run_scoped3A = tpu.sem_alloc : memref<!tpu.dma_semaphore, #tpu.memory_space<semaphore_mem>>
      %dma_start3A = arith.constant 0 : i32
      %dma_start3A_21 = tpu.memref_slice %arg5[%arg0, %mul3A_20, %dma_start3A] : memref<2x10240x128xf32, #tpu.memory_space<hbm>> -> memref<1x640x128xf32, #tpu.memory_space<hbm>>
      %dma_start3A_22 = tpu.memref_squeeze %dma_start3A_21 : memref<1x640x128xf32, #tpu.memory_space<hbm>> -> memref<640x128xf32, #tpu.memory_space<hbm>>
      %dma_start3A_23 = arith.constant 0 : i32
      %dma_start3A_24 = tpu.memref_slice %arg6[%mul3A_18, %dma_start3A_23] : memref<10240x128xf32, #tpu.memory_space<vmem_shared>> -> memref<640x128xf32, #tpu.memory_space<vmem_shared>>
      tpu.enqueue_dma source(%dma_start3A_24 : memref<640x128xf32, #tpu.memory_space<vmem_shared>>) target(%dma_start3A_22 : memref<640x128xf32, #tpu.memory_space<hbm>>) target_semaphore(%run_scoped3A : memref<!tpu.dma_semaphore, #tpu.memory_space<semaphore_mem>>)
      %dma_wait3A = arith.constant 0 : i32
      %dma_wait3A_25 = tpu.memref_slice %arg5[%arg0, %mul3A_20, %dma_wait3A] : memref<2x10240x128xf32, #tpu.memory_space<hbm>> -> memref<1x640x128xf32, #tpu.memory_space<hbm>>
      %dma_wait3A_26 = tpu.memref_squeeze %dma_wait3A_25 : memref<1x640x128xf32, #tpu.memory_space<hbm>> -> memref<640x128xf32, #tpu.memory_space<hbm>>
      %dma_wait3A_27 = arith.constant 0 : i32
      %dma_wait3A_28 = tpu.memref_slice %arg6[%mul3A_18, %dma_wait3A_27] : memref<10240x128xf32, #tpu.memory_space<vmem_shared>> -> memref<640x128xf32, #tpu.memory_space<vmem_shared>>
      tpu.wait_dma2 semaphore(%run_scoped3A : memref<!tpu.dma_semaphore, #tpu.memory_space<semaphore_mem>>) src(%dma_wait3A_28 : memref<640x128xf32, #tpu.memory_space<vmem_shared>>) dst(%dma_wait3A_26 : memref<640x128xf32, #tpu.memory_space<hbm>>)
      tpu.yield
    }) : () -> ()
    return
  }
}

module attributes {stable_mosaic.version = 14 : i64} {
  func.func @_mm1_body(%arg0: i32, %arg1: memref<256x128xf32, #tpu.memory_space<vmem>>, %arg2: memref<128x128xf32, #tpu.memory_space<vmem>>, %arg3: memref<256x128xf32, #tpu.memory_space<vmem>>) attributes {dimension_semantics = [#tpu.dimension_semantics<arbitrary>], iteration_bounds = array<i64: 40>, scalar_prefetch = 0 : i64, scratch_operands = 0 : i64, tpu.core_type = #tpu.core_type<tc>, window_params = [{transform_indices = @transform_0, window_bounds = array<i64: 256, 128>}, {pipeline_mode = #tpu.pipeline_mode<synchronous>, transform_indices = @transform_1, window_bounds = array<i64: 128, 128>}, {transform_indices = @transform_2, window_bounds = array<i64: 256, 128>}]} {
    %get3A = arith.constant 0 : index
    %get3A_0 = arith.constant 0 : index
    %get3A_1 = vector.load %arg1[%get3A, %get3A_0] : memref<256x128xf32, #tpu.memory_space<vmem>>, vector<256x128xf32>
    %get3A_2 = arith.constant 0 : index
    %get3A_3 = arith.constant 0 : index
    %get3A_4 = vector.load %arg2[%get3A_2, %get3A_3] : memref<128x128xf32, #tpu.memory_space<vmem>>, vector<128x128xf32>
    %dot_general3A = arith.constant dense<0.000000e+00> : vector<256x128xf32>
    %dot_general3A_5 = tpu.matmul %get3A_1, %get3A_4, %dot_general3A {dimension_numbers = #tpu.dot_dimension_numbers<[1], [0], [0], [1], [0, 0, 1, 1], [], []>, precision = #tpu.contract_precision<fp32>, transpose_lhs_hint = false} : vector<256x128xf32>, vector<128x128xf32>, vector<256x128xf32> -> vector<256x128xf32>
    %swap3A = arith.constant 0 : index
    %swap3A_6 = arith.constant 0 : index
    %swap3A_7 = vector.load %arg3[%swap3A, %swap3A_6] : memref<256x128xf32, #tpu.memory_space<vmem>>, vector<256x128xf32>
    tpu.vector_store %arg3[%swap3A, %swap3A_6], %dot_general3A_5 {strides = array<i32>} : memref<256x128xf32, #tpu.memory_space<vmem>>, vector<256x128xf32>,
    return
  }
  func.func @transform_0(%arg0: i32) -> (i32, i32) {
    %c0_i32 = arith.constant 0 : i32
    %c0_i32_0 = arith.constant 0 : i32
    return %arg0, %c0_i32 : i32, i32
  }
  func.func @transform_1(%arg0: i32) -> (i32, i32) {
    %c0_i32 = arith.constant 0 : i32
    %c0_i32_0 = arith.constant 0 : i32
    %c0_i32_1 = arith.constant 0 : i32
    return %c0_i32, %c0_i32_0 : i32, i32
  }
  func.func @transform_2(%arg0: i32) -> (i32, i32) {
    %c0_i32 = arith.constant 0 : i32
    %c0_i32_0 = arith.constant 0 : i32
    return %arg0, %c0_i32 : i32, i32
  }
}

module attributes {stable_mosaic.version = 14 : i64} {
  func.func @_g1_body(%arg0: i32, %arg1: memref<256x16xf32, #tpu.memory_space<vmem>>, %arg2: memref<256x16xf32, #tpu.memory_space<vmem>>, %arg3: memref<256x128xf32, #tpu.memory_space<vmem>>, %arg4: memref<256x128xf32, #tpu.memory_space<vmem>>) attributes {dimension_semantics = [#tpu.dimension_semantics<arbitrary>], iteration_bounds = array<i64: 40>, scalar_prefetch = 0 : i64, scratch_operands = 0 : i64, tpu.core_type = #tpu.core_type<tc>, window_params = [{transform_indices = @transform_0, window_bounds = array<i64: 256, 16>}, {transform_indices = @transform_1, window_bounds = array<i64: 256, 16>}, {transform_indices = @transform_2, window_bounds = array<i64: 256, 128>}, {transform_indices = @transform_3, window_bounds = array<i64: 256, 128>}]} {
    %get3A = arith.constant 0 : index
    %get3A_0 = arith.constant 0 : index
    %get3A_1 = vector.load %arg1[%get3A, %get3A_0] : memref<256x16xf32, #tpu.memory_space<vmem>>, vector<256x1xf32>
    %get3A_2 = arith.constant 0 : index
    %get3A_3 = arith.constant 0 : index
    %get3A_4 = vector.load %arg2[%get3A_2, %get3A_3] : memref<256x16xf32, #tpu.memory_space<vmem>>, vector<256x1xf32>
    %add3A = arith.addf %get3A_1, %get3A_4 : vector<256x1xf32>
    %add3A_5 = arith.constant 1.000000e+00 : f32
    %add3A_6 = vector.broadcast %add3A_5 : f32 to vector<256x1xf32>
    %add3A_7 = arith.addf %add3A, %add3A_6 : vector<256x1xf32>
    %rsqrt3A = math.rsqrt %add3A_7 : vector<256x1xf32>
    %get3A_8 = arith.constant 0 : index
    %get3A_9 = arith.constant 0 : index
    %get3A_10 = vector.load %arg3[%get3A_8, %get3A_9] : memref<256x128xf32, #tpu.memory_space<vmem>>, vector<256x128xf32>
    %mul3A = vector.broadcast %rsqrt3A : vector<256x1xf32> to vector<256x128xf32>
    %mul3A_11 = arith.mulf %mul3A, %get3A_10 : vector<256x128xf32>
    %swap3A = arith.constant 0 : index
    %swap3A_12 = arith.constant 0 : index
    %swap3A_13 = vector.load %arg4[%swap3A, %swap3A_12] : memref<256x128xf32, #tpu.memory_space<vmem>>, vector<256x128xf32>
    tpu.vector_store %arg4[%swap3A, %swap3A_12], %mul3A_11 {strides = array<i32>} : memref<256x128xf32, #tpu.memory_space<vmem>>, vector<256x128xf32>,
    return
  }
  func.func @transform_0(%arg0: i32) -> (i32, i32) {
    %c0_i32 = arith.constant 0 : i32
    %c0_i32_0 = arith.constant 0 : i32
    return %arg0, %c0_i32 : i32, i32
  }
  func.func @transform_1(%arg0: i32) -> (i32, i32) {
    %c0_i32 = arith.constant 0 : i32
    %c0_i32_0 = arith.constant 0 : i32
    return %arg0, %c0_i32 : i32, i32
  }
  func.func @transform_2(%arg0: i32) -> (i32, i32) {
    %c0_i32 = arith.constant 0 : i32
    %c0_i32_0 = arith.constant 0 : i32
    return %arg0, %c0_i32 : i32, i32
  }
  func.func @transform_3(%arg0: i32) -> (i32, i32) {
    %c0_i32 = arith.constant 0 : i32
    %c0_i32_0 = arith.constant 0 : i32
    return %arg0, %c0_i32 : i32, i32
  }
}

module attributes {stable_mosaic.version = 14 : i64} {
  func.func @_mid_body(%arg0: i32, %arg1: memref<256x16xf32, #tpu.memory_space<vmem>>, %arg2: memref<256x16xf32, #tpu.memory_space<vmem>>, %arg3: memref<256x128xf32, #tpu.memory_space<vmem>>, %arg4: memref<256x128xf32, #tpu.memory_space<vmem>>, %arg5: memref<256x128xf32, #tpu.memory_space<vmem>>, %arg6: memref<1x128xf32, #tpu.memory_space<vmem>>, %arg7: memref<128x128xf32, #tpu.memory_space<vmem>>, %arg8: memref<256x128xf32, #tpu.memory_space<vmem>>) attributes {dimension_semantics = [#tpu.dimension_semantics<arbitrary>], iteration_bounds = array<i64: 40>, scalar_prefetch = 0 : i64, scratch_operands = 0 : i64, tpu.core_type = #tpu.core_type<tc>, window_params = [{transform_indices = @transform_0, window_bounds = array<i64: 256, 16>}, {transform_indices = @transform_1, window_bounds = array<i64: 256, 16>}, {transform_indices = @transform_2, window_bounds = array<i64: 256, 128>}, {transform_indices = @transform_3, window_bounds = array<i64: 256, 128>}, {transform_indices = @transform_4, window_bounds = array<i64: 256, 128>}, {pipeline_mode = #tpu.pipeline_mode<synchronous>, transform_indices = @transform_5, window_bounds = array<i64: 1, 128>}, {pipeline_mode = #tpu.pipeline_mode<synchronous>, transform_indices = @transform_6, window_bounds = array<i64: 128, 128>}, {transform_indices = @transform_7, window_bounds = array<i64: 256, 128>}]} {
    %get3A = arith.constant 0 : index
    %get3A_0 = arith.constant 0 : index
    %get3A_1 = vector.load %arg1[%get3A, %get3A_0] : memref<256x16xf32, #tpu.memory_space<vmem>>, vector<256x1xf32>
    %get3A_2 = arith.constant 0 : index
    %get3A_3 = arith.constant 0 : index
    %get3A_4 = vector.load %arg2[%get3A_2, %get3A_3] : memref<256x16xf32, #tpu.memory_space<vmem>>, vector<256x1xf32>
    %add3A = arith.addf %get3A_1, %get3A_4 : vector<256x1xf32>
    %add3A_5 = arith.constant 1.000000e+00 : f32
    %add3A_6 = vector.broadcast %add3A_5 : f32 to vector<256x1xf32>
    %add3A_7 = arith.addf %add3A, %add3A_6 : vector<256x1xf32>
    %rsqrt3A = math.rsqrt %add3A_7 : vector<256x1xf32>
    %get3A_8 = arith.constant 0 : index
    %get3A_9 = arith.constant 0 : index
    %get3A_10 = vector.load %arg3[%get3A_8, %get3A_9] : memref<256x128xf32, #tpu.memory_space<vmem>>, vector<256x128xf32>
    %get3A_11 = arith.constant 0 : index
    %get3A_12 = arith.constant 0 : index
    %get3A_13 = vector.load %arg4[%get3A_11, %get3A_12] : memref<256x128xf32, #tpu.memory_space<vmem>>, vector<256x128xf32>
    %add3A_14 = arith.addf %get3A_10, %get3A_13 : vector<256x128xf32>
    %get3A_15 = arith.constant 0 : index
    %get3A_16 = arith.constant 0 : index
    %get3A_17 = vector.load %arg5[%get3A_15, %get3A_16] : memref<256x128xf32, #tpu.memory_space<vmem>>, vector<256x128xf32>
    %add3A_18 = arith.addf %add3A_14, %get3A_17 : vector<256x128xf32>
    %mul3A = vector.broadcast %rsqrt3A : vector<256x1xf32> to vector<256x128xf32>
    %mul3A_19 = arith.mulf %mul3A, %add3A_18 : vector<256x128xf32>
    %get3A_20 = arith.constant 0 : index
    %get3A_21 = arith.constant 0 : index
    %get3A_22 = vector.load %arg6[%get3A_20, %get3A_21] : memref<1x128xf32, #tpu.memory_space<vmem>>, vector<1x128xf32>
    %add3A_23 = vector.broadcast %get3A_22 : vector<1x128xf32> to vector<256x128xf32>
    %add3A_24 = arith.addf %mul3A_19, %add3A_23 : vector<256x128xf32>
    %max3A = arith.constant 0.000000e+00 : f32
    %max3A_25 = vector.broadcast %max3A : f32 to vector<256x128xf32>
    %max3A_26 = arith.maximumf %add3A_24, %max3A_25 : vector<256x128xf32>
    %get3A_27 = arith.constant 0 : index
    %get3A_28 = arith.constant 0 : index
    %get3A_29 = vector.load %arg7[%get3A_27, %get3A_28] : memref<128x128xf32, #tpu.memory_space<vmem>>, vector<128x128xf32>
    %dot_general3A = arith.constant dense<0.000000e+00> : vector<256x128xf32>
    %dot_general3A_30 = tpu.matmul %max3A_26, %get3A_29, %dot_general3A {dimension_numbers = #tpu.dot_dimension_numbers<[1], [0], [0], [1], [0, 0, 1, 1], [], []>, precision = #tpu.contract_precision<fp32>, transpose_lhs_hint = false} : vector<256x128xf32>, vector<128x128xf32>, vector<256x128xf32> -> vector<256x128xf32>
    %mul3A_31 = vector.broadcast %rsqrt3A : vector<256x1xf32> to vector<256x128xf32>
    %mul3A_32 = arith.mulf %mul3A_31, %dot_general3A_30 : vector<256x128xf32>
    %swap3A = arith.constant 0 : index
    %swap3A_33 = arith.constant 0 : index
    %swap3A_34 = vector.load %arg8[%swap3A, %swap3A_33] : memref<256x128xf32, #tpu.memory_space<vmem>>, vector<256x128xf32>
    tpu.vector_store %arg8[%swap3A, %swap3A_33], %mul3A_32 {strides = array<i32>} : memref<256x128xf32, #tpu.memory_space<vmem>>, vector<256x128xf32>,
    return
  }
  func.func @transform_0(%arg0: i32) -> (i32, i32) {
    %c0_i32 = arith.constant 0 : i32
    %c0_i32_0 = arith.constant 0 : i32
    return %arg0, %c0_i32 : i32, i32
  }
  func.func @transform_1(%arg0: i32) -> (i32, i32) {
    %c0_i32 = arith.constant 0 : i32
    %c0_i32_0 = arith.constant 0 : i32
    return %arg0, %c0_i32 : i32, i32
  }
  func.func @transform_2(%arg0: i32) -> (i32, i32) {
    %c0_i32 = arith.constant 0 : i32
    %c0_i32_0 = arith.constant 0 : i32
    return %arg0, %c0_i32 : i32, i32
  }
  func.func @transform_3(%arg0: i32) -> (i32, i32) {
    %c0_i32 = arith.constant 0 : i32
    %c0_i32_0 = arith.constant 0 : i32
    return %arg0, %c0_i32 : i32, i32
  }
  func.func @transform_4(%arg0: i32) -> (i32, i32) {
    %c0_i32 = arith.constant 0 : i32
    %c0_i32_0 = arith.constant 0 : i32
    return %arg0, %c0_i32 : i32, i32
  }
  func.func @transform_5(%arg0: i32) -> (i32, i32) {
    %c0_i32 = arith.constant 0 : i32
    %c0_i32_0 = arith.constant 0 : i32
    %c0_i32_1 = arith.constant 0 : i32
    return %c0_i32, %c0_i32_0 : i32, i32
  }
  func.func @transform_6(%arg0: i32) -> (i32, i32) {
    %c0_i32 = arith.constant 0 : i32
    %c0_i32_0 = arith.constant 0 : i32
    %c0_i32_1 = arith.constant 0 : i32
    return %c0_i32, %c0_i32_0 : i32, i32
  }
  func.func @transform_7(%arg0: i32) -> (i32, i32) {
    %c0_i32 = arith.constant 0 : i32
    %c0_i32_0 = arith.constant 0 : i32
    return %arg0, %c0_i32 : i32, i32
  }
}

module attributes {stable_mosaic.version = 14 : i64} {
  func.func @_out_body(%arg0: i32, %arg1: memref<256x16xf32, #tpu.memory_space<vmem>>, %arg2: memref<256x16xf32, #tpu.memory_space<vmem>>, %arg3: memref<256x128xf32, #tpu.memory_space<vmem>>, %arg4: memref<256x128xf32, #tpu.memory_space<vmem>>, %arg5: memref<256x128xf32, #tpu.memory_space<vmem>>, %arg6: memref<1x128xf32, #tpu.memory_space<vmem>>, %arg7: memref<256x128xf32, #tpu.memory_space<vmem>>) attributes {dimension_semantics = [#tpu.dimension_semantics<arbitrary>], iteration_bounds = array<i64: 40>, scalar_prefetch = 0 : i64, scratch_operands = 0 : i64, tpu.core_type = #tpu.core_type<tc>, window_params = [{transform_indices = @transform_0, window_bounds = array<i64: 256, 16>}, {transform_indices = @transform_1, window_bounds = array<i64: 256, 16>}, {transform_indices = @transform_2, window_bounds = array<i64: 256, 128>}, {transform_indices = @transform_3, window_bounds = array<i64: 256, 128>}, {transform_indices = @transform_4, window_bounds = array<i64: 256, 128>}, {pipeline_mode = #tpu.pipeline_mode<synchronous>, transform_indices = @transform_5, window_bounds = array<i64: 1, 128>}, {transform_indices = @transform_6, window_bounds = array<i64: 256, 128>}]} {
    %get3A = arith.constant 0 : index
    %get3A_0 = arith.constant 0 : index
    %get3A_1 = vector.load %arg1[%get3A, %get3A_0] : memref<256x16xf32, #tpu.memory_space<vmem>>, vector<256x1xf32>
    %get3A_2 = arith.constant 0 : index
    %get3A_3 = arith.constant 0 : index
    %get3A_4 = vector.load %arg2[%get3A_2, %get3A_3] : memref<256x16xf32, #tpu.memory_space<vmem>>, vector<256x1xf32>
    %add3A = arith.addf %get3A_1, %get3A_4 : vector<256x1xf32>
    %add3A_5 = arith.constant 1.000000e+00 : f32
    %add3A_6 = vector.broadcast %add3A_5 : f32 to vector<256x1xf32>
    %add3A_7 = arith.addf %add3A, %add3A_6 : vector<256x1xf32>
    %rsqrt3A = math.rsqrt %add3A_7 : vector<256x1xf32>
    %get3A_8 = arith.constant 0 : index
    %get3A_9 = arith.constant 0 : index
    %get3A_10 = vector.load %arg3[%get3A_8, %get3A_9] : memref<256x128xf32, #tpu.memory_space<vmem>>, vector<256x128xf32>
    %get3A_11 = arith.constant 0 : index
    %get3A_12 = arith.constant 0 : index
    %get3A_13 = vector.load %arg4[%get3A_11, %get3A_12] : memref<256x128xf32, #tpu.memory_space<vmem>>, vector<256x128xf32>
    %add3A_14 = arith.addf %get3A_10, %get3A_13 : vector<256x128xf32>
    %get3A_15 = arith.constant 0 : index
    %get3A_16 = arith.constant 0 : index
    %get3A_17 = vector.load %arg5[%get3A_15, %get3A_16] : memref<256x128xf32, #tpu.memory_space<vmem>>, vector<256x128xf32>
    %add3A_18 = arith.addf %add3A_14, %get3A_17 : vector<256x128xf32>
    %mul3A = vector.broadcast %rsqrt3A : vector<256x1xf32> to vector<256x128xf32>
    %mul3A_19 = arith.mulf %mul3A, %add3A_18 : vector<256x128xf32>
    %get3A_20 = arith.constant 0 : index
    %get3A_21 = arith.constant 0 : index
    %get3A_22 = vector.load %arg6[%get3A_20, %get3A_21] : memref<1x128xf32, #tpu.memory_space<vmem>>, vector<1x128xf32>
    %add3A_23 = vector.broadcast %get3A_22 : vector<1x128xf32> to vector<256x128xf32>
    %add3A_24 = arith.addf %mul3A_19, %add3A_23 : vector<256x128xf32>
    %swap3A = arith.constant 0 : index
    %swap3A_25 = arith.constant 0 : index
    %swap3A_26 = vector.load %arg7[%swap3A, %swap3A_25] : memref<256x128xf32, #tpu.memory_space<vmem>>, vector<256x128xf32>
    tpu.vector_store %arg7[%swap3A, %swap3A_25], %add3A_24 {strides = array<i32>} : memref<256x128xf32, #tpu.memory_space<vmem>>, vector<256x128xf32>,
    return
  }
  func.func @transform_0(%arg0: i32) -> (i32, i32) {
    %c0_i32 = arith.constant 0 : i32
    %c0_i32_0 = arith.constant 0 : i32
    return %arg0, %c0_i32 : i32, i32
  }
  func.func @transform_1(%arg0: i32) -> (i32, i32) {
    %c0_i32 = arith.constant 0 : i32
    %c0_i32_0 = arith.constant 0 : i32
    return %arg0, %c0_i32 : i32, i32
  }
  func.func @transform_2(%arg0: i32) -> (i32, i32) {
    %c0_i32 = arith.constant 0 : i32
    %c0_i32_0 = arith.constant 0 : i32
    return %arg0, %c0_i32 : i32, i32
  }
  func.func @transform_3(%arg0: i32) -> (i32, i32) {
    %c0_i32 = arith.constant 0 : i32
    %c0_i32_0 = arith.constant 0 : i32
    return %arg0, %c0_i32 : i32, i32
  }
  func.func @transform_4(%arg0: i32) -> (i32, i32) {
    %c0_i32 = arith.constant 0 : i32
    %c0_i32_0 = arith.constant 0 : i32
    return %arg0, %c0_i32 : i32, i32
  }
  func.func @transform_5(%arg0: i32) -> (i32, i32) {
    %c0_i32 = arith.constant 0 : i32
    %c0_i32_0 = arith.constant 0 : i32
    %c0_i32_1 = arith.constant 0 : i32
    return %c0_i32, %c0_i32_0 : i32, i32
  }
  func.func @transform_6(%arg0: i32) -> (i32, i32) {
    %c0_i32 = arith.constant 0 : i32
    %c0_i32_0 = arith.constant 0 : i32
    return %arg0, %c0_i32 : i32, i32
  }
}

</mosaic_0001>

<sc_bundles>
// kernel: kernel.12.cloned.1.call-start
scs
__scs_entry_jumppad:
0x0: {  	(pc) =	sbr.rel $0x88, $3  }
0x1: {  	(tag) =	ssettag $0x0;
	lr =	simm.s32 $0x1  }
0x2: {  	[smem:$0x3F9B] =	sst lr;
	_ =	strace $0xD0000000  }
0x3: {  	_ = 	snop  }
0x4: {  	_ = 	snop  }
0x5: {  	_ = 	snop  }
0x6: {  	_ = 	snop  }
0x7: {  	_ = 	snop  }
__scs_overlays_trampoline_lowered:
0x8: {  	[smem:$0x3FAA] =	sst s0  }
0x9: {  	[smem:$0x3FAB] =	sst s1  }
0xa: {  	[smem:$0x3FAC] =	sst s2  }
0xb: {  	[smem:$0x3FAD] =	sst s3  }
0xc: {  	[smem:$0x3FAE] =	sst s4  }
0xd: {  	[smem:$0x3FAF] =	sst s5  }
0xe: {  	[smem:$0x3FB0] =	sst s6  }
0xf: {  	[smem:$0x3FB1] =	sst s7  }
0x10: {  	[smem:$0x3FB2] =	sst s8  }
0x11: {  	[smem:$0x3FB3] =	sst s9;
	s0 =	simm.s32 @!p0 $0x0  }
0x12: {  	s1 =	sld [smem:$0x3F99];
	s0 =	simm.s32 @p0 $0x1  }
0x13: {  	[smem:$0x3FB4] =	sst s0;
	s0 =	simm.s32 @!p1 $0x0  }
0x14: {  	s2 =	sld [smem:$0x3F98];
	s0 =	simm.s32 @p1 $0x1  }
0x15: {  	[smem:$0x3FB5] =	sst s0;
	s0 =	simm.s32 @!p2 $0x0  }
0x16: {  	s3 =	sld [smem:$0x3FDB];
	s0 =	simm.s32 @p2 $0x1  }
0x17: {  	s4 =	simm.s32 $0x1BF5;
	[smem:$0x3FB7] =	sst s0  }
0x18: {  	s0 =	sld [smem:$0x3F9A];
	_ =	swait.ge [sflag:s4], $0x0  }
0x19: {  	s7 =	sld [smem:$0x3F9B]  }
0x1a: {  	s8 =	sadd.s32 $0xFFFFE003, lr  }
0x1b: {  	s9 =	sadd.s32 $0xFFFFFEF7, lr;
	s5 =	simm.s32 $0xFFFFFFFF;
	p2 =	slt.u32 s8, $0xFFFFF086  }
0x1c: {  	p1 =	slt.u32 s9, $0xF7A;
	s5 =	simm.s32 @!p2 $0x0  }
0x1d: {  	s5 =	simm.s32 @p1 $0x1;
	p0 =	seq.s32 s7, s2  }
0x1e: {  	s7 =	smul.u32 @!p0 $0xF7A, s2;
	p2 =	seq.s32 @!p0 s5, $0x0  }
0x1f: {  	s9 =	smul.u32 $0xF7A, s1;
	s8 =	simm.s32 @!p0 $0x1BF5;
	p2 =	por !p2, p0  }
0x20: {  	[sflag:s8] =	ssyncset.s32 @!p0 $0xFFFFF086;
	s6 =	sadd.s32 @!p0 s3, s7;
	s7 =	simm.s32 @!p0 $0x108  }
0x21: {  	s3 =	sadd.s32 s3, s9;
	s6 =	sadd.s32 @!p0 $0x88, s6;
	s7 =	simm.s32 @p2 $0x1082  }
0x22: {  	[simem:s7], [sflag:s8] =	dma.local @!p0 [hbm:s6], $0xF7A  }
0x23: {  	s9 =	sor.u32 $0xD0000000, s2;
	s6 =	simm.s32 $0x108;
	_ =	swait.ge @!p0 [sflag:s8], $0x0  }
0x24: {  	s3 =	sadd.s32 $0x88, s3;
	s6 =	simm.s32 @!p1 $0x1082;
	[sflag:s4] =	ssyncset.s32 $0xFFFFF086  }
0x25: {  	[simem:s6], [sflag:s4] =	dma.local [hbm:s3], $0xF7A  }
0x26: {  	[smem:$0x3F9B] =	sst s1;
	(tag) =	ssettag s2;
	_ =	strace s9  }
0x27: {  	s1 =	sld [smem:$0x3FAB]  }
0x28: {  	s2 =	sld [smem:$0x3FAC]  }
0x29: {  	s4 =	sld [smem:$0x3FAE]  }
0x2a: {  	p0 =	seq.s32 s5, $0x0;
	s5 =	sld [smem:$0x3FAF]  }
0x2b: {  	s6 =	sld [smem:$0x3FB0]  }
0x2c: {  	s7 =	sld [smem:$0x3FB1]  }
0x2d: {  	s3 =	simm.s32 $0x108;
	s8 =	sld [smem:$0x3FB2]  }
0x2e: {  	s3 =	simm.s32 @!p0 $0x1082;
	s9 =	sld [smem:$0x3FB3]  }
0x2f: {  	lr =	sadd.s32 s0, s3;
	s0 =	sld [smem:$0x3FAA]  }
0x30: {  	s3 =	sld [smem:$0x3FAD]  }
0x31: {  	[smem:$0x3FB6] =	sst s10  }
0x32: {  	s10 =	sld [smem:$0x3FB4];
	_ =	sdelay $0x3  }
0x33: {  	p0 =	seq.s32 s10, $0x1;
	s10 =	sld [smem:$0x3FB6];
	_ =	sdelay $0x3  }
0x34: {  	[smem:$0x3FB6] =	sst s10  }
0x35: {  	s10 =	sld [smem:$0x3FB5];
	_ =	sdelay $0x3  }
0x36: {  	p1 =	seq.s32 s10, $0x1;
	s10 =	sld [smem:$0x3FB6];
	_ =	sdelay $0x3  }
0x37: {  	[smem:$0x3FB6] =	sst s10  }
0x38: {  	s10 =	sld [smem:$0x3FB7]  }
0x39: {  	_ = 	snop;
	(pc) =	sbr.ind lr, $3  }
0x3a: {  	_ = 	snop  }
0x3b: {  	_ = 	snop  }
0x3c: {  	p2 =	seq.s32 s10, $0x1;
	s10 =	sld [smem:$0x3FB6]  }
0x3d: {  	_ =	shalt  }
0x3e: {  	_ =	shalt  }
0x3f: {  	_ =	shalt  }
0x40: {  	_ =	shalt  }
0x41: {  	_ =	shalt  }
0x42: {  	_ =	shalt  }
0x43: {  	_ =	shalt  }
0x44: {  	_ =	shalt  }
0x45: {  	_ =	shalt  }
0x46: {  	_ =	shalt  }
0x47: {  	_ =	shalt  }
0x48: {  	_ =	shalt  }
0x49: {  	_ =	shalt  }
0x4a: {  	_ =	shalt  }
0x4b: {  	_ =	shalt  }
0x4c: {  	_ =	shalt  }
0x4d: {  	_ =	shalt  }
0x4e: {  	_ =	shalt  }
0x4f: {  	_ =	shalt  }
0x50: {  	_ =	shalt  }
0x51: {  	_ =	shalt  }
0x52: {  	_ =	shalt  }
0x53: {  	_ =	shalt  }
0x54: {  	_ =	shalt  }
0x55: {  	_ =	shalt  }
0x56: {  	_ =	shalt  }
0x57: {  	_ =	shalt  }
0x58: {  	_ =	shalt  }
0x59: {  	_ =	shalt  }
0x5a: {  	_ =	shalt  }
0x5b: {  	_ =	shalt  }
0x5c: {  	_ =	shalt  }
0x5d: {  	_ =	shalt  }
0x5e: {  	_ =	shalt  }
0x5f: {  	_ =	shalt  }
0x60: {  	_ =	shalt  }
0x61: {  	_ =	shalt  }
0x62: {  	_ =	shalt  }
0x63: {  	_ =	shalt  }
0x64: {  	_ =	shalt  }
0x65: {  	_ =	shalt  }
0x66: {  	_ =	shalt  }
0x67: {  	_ =	shalt  }
0x68: {  	_ =	shalt  }
0x69: {  	_ =	shalt  }
0x6a: {  	_ =	shalt  }
0x6b: {  	_ =	shalt  }
0x6c: {  	_ =	shalt  }
0x6d: {  	_ =	shalt  }
0x6e: {  	_ =	shalt  }
0x6f: {  	_ =	shalt  }
0x70: {  	_ =	shalt  }
0x71: {  	_ =	shalt  }
0x72: {  	_ =	shalt  }
0x73: {  	_ =	shalt  }
0x74: {  	_ =	shalt  }
0x75: {  	_ =	shalt  }
0x76: {  	_ =	shalt  }
0x77: {  	_ =	shalt  }
0x78: {  	_ =	shalt  }
0x79: {  	_ =	shalt  }
0x7a: {  	_ =	shalt  }
0x7b: {  	_ =	shalt  }
0x7c: {  	_ =	shalt  }
0x7d: {  	_ =	shalt  }
0x7e: {  	_ =	shalt  }
0x7f: {  	_ =	shalt  }
0x80: {  	_ =	shalt  }
0x81: {  	_ =	shalt  }
0x82: {  	_ =	shalt  }
0x83: {  	_ =	shalt  }
0x84: {  	_ =	shalt  }
0x85: {  	_ =	shalt  }
0x86: {  	_ =	shalt  }
0x87: {  	_ =	shalt  }
.Lfunc_end0:
.L_simem_size_0:
called_computation.1_lowered:
.L_overlay_start_0:
0x88: {  	s2 =	sld [smem:$0x3FD9]  }
0x89: {  	s3 =	sld [smem:$0x3FFE];
	_ =	sdelay $0x1  }
0x8a: {  	s1 =	srdreg.scid  }
0x8b: {  	s0 =	sand.u32 $0x1, s1  }
0x8c: {  	s17 =	sshll.u32 s0, $0xA;
	s2 =	sadd.s32 s3, s2  }
0x8d: {  	s2 =	sadd.s32 s2, s17  }
0x8e: {  	[smem:$0x3FC2] =	sst s2  }
0x8f: {  	_ = 	snop  }
0x90: {  	s2 =	sld [smem:$0x3FD0];
	(tm) =	ssettm $0x1  }
0x91: {  	s18 =	sld [smem:$0x3FFB];
	_ =	sdelay $0x3  }
0x92: {  	_ =	strace s18  }
0x93: {  	s3 =	sld [smem:$0x3FFC];
	_ =	sdelay $0x3  }
0x94: {  	_ =	strace s3  }
0x95: {  	s3 =	sld [smem:$0x3FFD];
	_ =	sdelay $0x3  }
0x96: {  	_ =	strace s3  }
0x97: {  	_ =	strace $0x8FFFFFFF  }
0x98: {  	s19 =	sld [smem:$0x3FDB];
	_ =	sdelay $0x1  }
0x99: {  	s4 =	simm.s32 $_scs_section_size  }
0x9a: {  	s5 =	simm.s32 $_size__tile_overlayer_lowered;
	s6 =	simm.s32 $_tile_overlayer_lowered  }
0x9b: {  	s22 =	simm.s32 $0x1BFF;
	s21 =	sshll.u32 s6, $0x1;
	s3 =	sadd.s32 s4, s19  }
0x9c: {  	s7 =	simm.s32 $0x0;
	s20 =	sshll.u32 s5, $0x1;
	s5 =	sadd.s32 s21, s3  }
0x9d: {  	[timem:s7], [sflag:s22] =	dma.local [hbm:s5], s20  }
0x9e: {  	_ =	swait.ge [sflag:s22], s20  }
0x9f: {  	s4 =	ssub.s32 $0x0, s20;
	[sflag:s22] =	ssyncset.done $0x0  }
0xa0: {  	[sflag:s22] =	ssyncadd.s32 s4;
	_ =	sdelay $0x1  }
0xa1: {  	s23 =	simm.s32 $0x1B8B  }
0xa2: {  	_ =	swait.ge [sflag:s23], $0x1  }
0xa3: {  	[sflag:s23] =	ssyncset.done $0x0  }
0xa4: {  	s25 =	simm.s32 $0x1B8E;
	s24 =	sld [smem:$0x3FFE];
	[sflag:s23] =	ssyncadd.s32 $0xFFFFFFFF  }
0xa5: {  	s26 =	simm.s32 $execute0_lowered;
	[smem:$0x3FD2] =	sst s25  }
0xa6: {  	s5 =	sshll.u32 s26, $0x1;
	_ =	strace $0x80000049;
	[dreg:$0x1] =	wrdreg $0xFFFFFFFF  }
0xa7: {  	s28 =	simm.s32 $_size_execute0_lowered;
	s3 =	sadd.s32 s3, s5;
	[dreg:$0x0] =	wrdreg $0x0  }
0xa8: {  	s5 =	sshll.u32 s28, $0x1;
	[dreg:$0x2] =	wrdreg s3  }
0xa9: {  	[dreg:$0x3] =	wrdreg s5  }
0xaa: {  	[dreg:$0x4] =	wrdreg $0xC0  }
0xab: {  	_ =	task [dreg:s7], $0x5FFFF  }
0xac: {  	[dreg:$0x1] =	wrdreg $0xFFFFFFFF  }
0xad: {  	[dreg:$0x0] =	wrdreg $0x60  }
0xae: {  	[dreg:$0x2] =	wrdreg s24  }
0xaf: {  	[dreg:$0x3] =	wrdreg s2  }
0xb0: {  	[dreg:$0x4] =	wrdreg $0x0  }
0xb1: {  	[dreg:$0x5] =	wrdreg $0x9  }
0xb2: {  	_ =	task.clear_ibuf [dreg:s7], $0x6FFFF;
	_ =	strace $0x90000049  }
0xb3: {  	s29 =	simm.s32 $0x9;
	_ =	strace $0x8000004B  }
0xb4: {  	_ =	swait.ge [sflag:s29], $0x1  }
0xb5: {  	[sflag:s29] =	ssyncadd.s32 $0xFFFFFFFF  }
0xb6: {  	_ =	strace $0x9000004B  }
0xb7: {  	_ =	sfence  }
0xb8: {  	s30 =	sld [smem:$0x0];
	_ =	sdelay $0x2  }
0xb9: {  	s31 =	sshll.u32 s1, $0xD;
	s1 =	sshrl.u32 s1, $0x2  }
0xba: {  	s3 =	sand.u32 $0x4000, s31;
	s1 =	sadd.s32 s1, s30  }
0xbb: {  	s0 =	sor.u32 s3, s0;
	s1 =	sshll.u32 s1, $0x11  }
0xbc: {  	s0 =	sor.u32 s1, s0  }
0xbd: {  	s0 =	sadd.s32 $0x8F2B, s0  }
0xbe: {  	[sflag:s0] =	ssyncadd.remote.s32 $0x1  }
0xbf: {  	_ =	sfence.sel $0xFFFF  }
0xc0: {  	[dreg:$0x0] =	wrdreg $0xFFFFFFFF;
	(pc) =	sbr.abs _section_cstart, $3  }
0xc1: {  	[dreg:$0x1] =	wrdreg $0xFFFFFFFF  }
0xc2: {  	_ =	task.clear_ibuf [dreg:s7], $0x2FFFF;
	_ =	strace $0x9FFFFFFF  }
0xc3: {  	(tm) =	ssettm $0x7FFFFFFF  }
tec
execute0_lowered:
.L_overlay_start_1:
0x0: {  	(tag) =	ssettag $0x1  }
0x1: {  	s5 =	rddreg [dreg:$0x0]  }
0x2: {  	s8 =	rddreg [dreg:$0x1]  }
0x3: {  	s2 =	rddreg [dreg:$0x2]  }
0x4: {  	s0 =	srdreg.scid;
	s1 =	rddreg [dreg:$0x3]  }
0x5: {  	s3 =	simm.s32 $0x0;
	s14 =	simm.s32 $0x19000;
	s6 =	sand.u32 $0x1, s0  }
0x6: {  	s15 =	simm.s32 $0x2;
	s0 =	stileid.u32;
	s4 =	smul.u32 $0x28000, s6  }
0x7: {  	s16 =	simm.s32 $0x14000;
	s17 =	simm.s32 $0x16800;
	s7 =	smul.u32 $0x2800, s0  }
0x8: {  	s18 =	simm.s32 $0x80;
	[smem:$0x7FF] =	sst s3;
	s9 =	smul.u32 $0x140000, s6  }
0x9: {  	s19 =	simm.s32 $0x1;
	s28 =	smul.u32 $0x14000, s0;
	_ =	strace $0x8000004A  }
0xa: {  	s11 =	smul.u32 $0x50000, s0;
	s6 =	ssub.s32 $0x2, s6;
	s20 =	sshll.u32 s0, $0x6  }
0xb: {  	s31 =	sshrl.u32 s6, $0x1;
	s20 =	sor.u32 $0x1C02, s20;
	s4 =	sadd.s32 s7, s4  }
0xc: {  	s7 =	sadd.s32 s28, s9;
	s29 =	sshrl.u32 s11, $0x2;
	s13 =	ssub.s32 s6, s31  }
0xd: {  	s10 =	sshrl.u32 s4, $0x3;
	s4 =	sadd.s32 $0x1E00, s5;
	s7 =	sshrl.u32 s7, $0x3  }
0xe: {  	s12 =	sadd.s32 s10, s5;
	s30 =	sadd.s32 s7, s5;
	s5 =	sadd.s32 s29, s2  }
0xf: {  	s8 =	sadd.s32 s8, s10;
	s10 =	smax.u32 s13, $0x1;
	s6 =	sadd.s32 $0x10000, s5  }
0x10: {  	s7 =	sadd.s32 $0x51E00, s12;
	s9 =	sadd.s32 $0x5BE00, s30;
	s11 =	sadd.s32 $0x4000, s5  }
0x11: {  	v0 =	vimm.f32 $0.0e+00;
	s12 =	sadd.s32 $0x8000, s5;
	s13 =	sadd.s32 $0xC000, s5;
	s21 =	sshrl.u32 s5, $0x3  }
.LBB2_1:
0x12: {  	s22 =	simm.s32 $0x0;
	s23 =	simm.s32 $0x200  }
.LBB2_2:
0x13: {  	p0 =	sne.s32 s23, $0xFE00;
	[tilespmem:s22+$0x19070] =	vst v0  }
0x14: {  	[tilespmem:s22+$0x19000] =	vst v0  }
0x15: {  	[tilespmem:s22+$0x19010] =	vst v0  }
.Ltmp0:
0x16: {  	[tilespmem:s22+$0x19020] =	vst v0;
	(pc) =	sbr.rel @p0 .LBB2_2-.Ltmp0, $4  }
0x17: {  	[tilespmem:s22+$0x19030] =	vst v0  }
0x18: {  	[tilespmem:s22+$0x19040] =	vst v0  }
0x19: {  	[tilespmem:s22+$0x19050] =	vst v0  }
0x1a: {  	[tilespmem:s22+$0x19060] =	vst v0;
	s22 =	sshra.s32 s23, $0x2;
	s23 =	sadd.s32 $0x200, s23  }
0x1b: {  	[tilespmem:s22+$0x19070] =	vst v0  }
0x1c: {  	[tilespmem:s22+$0x19000] =	vst v0  }
0x1d: {  	[tilespmem:s22+$0x19010] =	vst v0  }
0x1e: {  	[tilespmem:s22+$0x19020] =	vst v0  }
0x1f: {  	[tilespmem:s22+$0x19030] =	vst v0  }
0x20: {  	[tilespmem:s22+$0x19040] =	vst v0  }
0x21: {  	[tilespmem:s22+$0x19050] =	vst v0  }
0x22: {  	[tilespmem:s22+$0x19060] =	vst v0  }
0x23: {  	[spmem:s5] =	stream.linear.scatter [tilespmem:s14], [sflag:$0x2], $0x4000, $0x38;
	[tilespmem:$0x1D000] =	vst v63  }
0x24: {  	_ =	swait.ge [sflag:s15], $0x4000  }
0x25: {  	[sflag:s15] =	ssyncset.done $0x0  }
0x26: {  	[sflag:s15] =	ssyncadd.s32 $0xFFFFC000  }
0x27: {  	[spmem:s11] =	stream.linear.scatter [tilespmem:s14], [sflag:$0x2], $0x4000, $0x38;
	[tilespmem:$0x1D000] =	vst v63  }
0x28: {  	_ =	swait.ge [sflag:s15], $0x4000  }
0x29: {  	[sflag:s15] =	ssyncset.done $0x0  }
0x2a: {  	[sflag:s15] =	ssyncadd.s32 $0xFFFFC000  }
0x2b: {  	[spmem:s12] =	stream.linear.scatter [tilespmem:s14], [sflag:$0x2], $0x4000, $0x38;
	[tilespmem:$0x1D000] =	vst v63  }
0x2c: {  	_ =	swait.ge [sflag:s15], $0x4000  }
0x2d: {  	[sflag:s15] =	ssyncset.done $0x0  }
0x2e: {  	[sflag:s15] =	ssyncadd.s32 $0xFFFFC000  }
0x2f: {  	[spmem:s13] =	stream.linear.scatter [tilespmem:s14], [sflag:$0x2], $0x4000, $0x38;
	[tilespmem:$0x1D000] =	vst v63  }
0x30: {  	_ =	swait.ge [sflag:s15], $0x4000  }
0x31: {  	[sflag:s15] =	ssyncset.done $0x0  }
0x32: {  	[sflag:s15] =	ssyncadd.s32 $0xFFFFC000  }
0x33: {  	[spmem:s6] =	stream.linear.scatter [tilespmem:s14], [sflag:$0x2], $0x4000, $0x38;
	[tilespmem:$0x1D000] =	vst v63  }
0x34: {  	_ =	swait.ge [sflag:s15], $0x4000  }
0x35: {  	[sflag:s15] =	ssyncset.done $0x0  }
0x36: {  	[sflag:s15] =	ssyncadd.s32 $0xFFFFC000  }
0x37: {  	s29 =	simm.s32 $0x0;
	[bflag:$0x0] =	sbarrier.arrive $0xFFFF  }
0x38: {  	[tilespmem:s16], [sflag:$0x2] =	stream.linear.gather [hbm4b:s7+s29], $0x2780, $0x38;
	[tilespmem:$0x1D000] =	vst v63  }
0x39: {  	_ =	swait.ge [sflag:s15], $0x2780  }
0x3a: {  	[sflag:s15] =	ssyncset.done $0x0  }
0x3b: {  	[sflag:s15] =	ssyncadd.s32 $0xFFFFD880  }
0x3c: {  	[tilespmem:s17], [sflag:$0x2] =	stream.linear.gather [hbm4b:s8+s29], $0x2780, $0x38;
	[tilespmem:$0x1D000] =	vst v63  }
0x3d: {  	_ =	swait.ge [sflag:s15], $0x2780  }
0x3e: {  	[sflag:s15] =	ssyncset.done $0x0  }
0x3f: {  	s30 =	simm.s32 $0x14000;
	[sflag:s15] =	ssyncadd.s32 $0xFFFFD880  }
0x40: {  	[tilespmem:s14], [sflag:$0x1] =	stream.indirect.gather [hbm4b:s4+s18], $0x80, s30, s18, $0xb8;
	[tilespmem:$0x1D000] =	vst v63  }
0x41: {  	_ =	swait.ge [sflag:s19], $0x4000  }
0x42: {  	[sflag:s19] =	ssyncset.done $0x0  }
0x43: {  	s31 =	simm.s32 $0x16800;
	[sflag:s19] =	ssyncadd.s32 $0xFFFFC000  }
0x44: {  	[spmem:s2] =	stream.indirect.scatter.add.f32 [tilespmem:s14], [sflag:$0x2], $0x80, s31, s18, $0xb8;
	[tilespmem:$0x1D000] =	vst v63  }
0x45: {  	_ =	swait.ge [sflag:s15], $0x4000  }
0x46: {  	s23 =	simm.s32 $0x400;
	s22 =	simm.s32 $0x80;
	[sflag:s15] =	ssyncset.done $0x0  }
.LBB2_4:
0x47: {  	s24 =	sadd.s32 $0x14000, s22  }
0x48: {  	[sflag:s15] =	ssyncadd.s32 $0xFFFFC000;
	s25 =	smov.u32 s23;
	s26 =	sadd.s32 $0x200, s23  }
0x49: {  	[tilespmem:s14], [sflag:$0x1] =	stream.indirect.gather [hbm4b:s4+s18], $0x80, s24, s18, $0xb8;
	[tilespmem:$0x1D000] =	vst v63  }
0x4a: {  	p0 =	sne.s32 s23, $0x9C00;
	_ =	swait.ge [sflag:s19], $0x4000  }
.Ltmp1:
0x4b: {  	[sflag:s19] =	ssyncset.done $0x0;
	(pc) =	sbr.rel @p0 .LBB2_4-.Ltmp1, $4  }
0x4c: {  	s22 =	sadd.s32 $0x16800, s22;
	[sflag:s19] =	ssyncadd.s32 $0xFFFFC000  }
0x4d: {  	[spmem:s2] =	stream.indirect.scatter.add.f32 [tilespmem:s14], [sflag:$0x2], $0x80, s22, s18, $0xb8;
	[tilespmem:$0x1D000] =	vst v63  }
0x4e: {  	_ =	swait.ge [sflag:s15], $0x4000  }
0x4f: {  	s23 =	smov.u32 s26;
	s22 =	sshra.s32 s25, $0x2;
	[sflag:s15] =	ssyncset.done $0x0  }
0x50: {  	s23 =	sadd.s32 $0x14000, s22;
	[sflag:s15] =	ssyncadd.s32 $0xFFFFC000  }
0x51: {  	[tilespmem:s14], [sflag:$0x1] =	stream.indirect.gather [hbm4b:s4+s18], $0x80, s23, s18, $0xb8;
	[tilespmem:$0x1D000] =	vst v63  }
0x52: {  	_ =	swait.ge [sflag:s19], $0x4000  }
0x53: {  	[sflag:s19] =	ssyncset.done $0x0  }
0x54: {  	s31 =	sadd.s32 $0x16800, s22;
	[sflag:s19] =	ssyncadd.s32 $0xFFFFC000  }
0x55: {  	[spmem:s2] =	stream.indirect.scatter.add.f32 [tilespmem:s14], [sflag:$0x2], $0x80, s31, s18, $0xb8;
	[tilespmem:$0x1D000] =	vst v63  }
0x56: {  	_ =	swait.ge [sflag:s15], $0x4000  }
0x57: {  	s3 =	sadd.s32 $0x1, s3;
	[sflag:s15] =	ssyncset.done $0x0  }
0x58: {  	p0 =	sne.s32 s3, s10;
	[sflag:s15] =	ssyncadd.s32 $0xFFFFC000  }
.Ltmp2:
0x59: {  	[bflag:$0x0] =	sbarrier.arrive $0xFFFF;
	(pc) =	sbr.rel @p0 .LBB2_1-.Ltmp2, $4  }
0x5a: {  	[hbm:s9], [sflag:s20] =	dma.local [spmem:s21], $0x2800  }
0x5b: {  	_ =	swait.ge [sflag:s15], $0x2800  }
0x5c: {  	[sflag:s15] =	ssyncset.done $0x0  }
0x5d: {  	[sflag:s15] =	ssyncadd.s32 $0xFFFFD800  }
0x5e: {  	_ =	sfence.sel $0x180000  }
0x5f: {  	[bflag:$0x0] =	sbarrier.arrive $0xFFFF  }
0x60: {  	p0 =	sne.s32 s0, $0x0;
	_ =	strace $0x9000004A  }
0x61: {  	s0 =	sadd.s32 @!p0 $0x100000, s1;
	[bflag:$0x2] =	sbarrier.arrive $0xFFFF  }
0x62: {  	[sflag:s0] =	ssyncadd.tile.s32 @!p0 $0x1;
	_ =	shalt  }
.Lfunc_end2:
_tile_overlayer_lowered:
.L_overlay_start_2:
0x63: {  	(tag) =	ssettag $0x2  }
0x64: {  	s0 =	rddreg [dreg:$0x0];
	s2 =	stileid.u32  }
0x65: {  	s1 =	rddreg [dreg:$0x1];
	p0 =	sne.s32 s2, $0x0  }
0x66: {  	s3 =	rddreg [dreg:$0x2];
	[bflag:$0x3] =	sbarrier.arrive $0xFFFF;
	s2 =	simm.s32 @!p0 $0x1C02  }
0x67: {  	[timem:s3], [sflag:s2] =	dma.local @!p0 [hbm:s0], s1  }
0x68: {  	s0 =	simm.s32 @!p0 $0x2  }
0x69: {  	_ =	swait.ge @!p0 [sflag:s0], s1  }
0x6a: {  	s1 =	ssub.s32 @!p0 $0x0, s1;
	[sflag:s0] =	ssyncset.done @!p0 $0x0  }
0x6b: {  	[sflag:s0] =	ssyncadd.s32 @!p0 s1  }
0x6c: {  	[bflag:$0x3] =	sbarrier.arrive $0xFFFF  }
0x6d: {  	_ =	shalt  }

// kernel: kernel.15.cloned.1.call-start
scs
__scs_entry_jumppad:
0x0: {  	(pc) =	sbr.rel $0x88, $3  }
0x1: {  	(tag) =	ssettag $0x0;
	lr =	simm.s32 $0x1  }
0x2: {  	[smem:$0x3F9B] =	sst lr;
	_ =	strace $0xD0000000  }
0x3: {  	_ = 	snop  }
0x4: {  	_ = 	snop  }
0x5: {  	_ = 	snop  }
0x6: {  	_ = 	snop  }
0x7: {  	_ = 	snop  }
__scs_overlays_trampoline_lowered:
0x8: {  	[smem:$0x3FAA] =	sst s0  }
0x9: {  	[smem:$0x3FAB] =	sst s1  }
0xa: {  	[smem:$0x3FAC] =	sst s2  }
0xb: {  	[smem:$0x3FAD] =	sst s3  }
0xc: {  	[smem:$0x3FAE] =	sst s4  }
0xd: {  	[smem:$0x3FAF] =	sst s5  }
0xe: {  	[smem:$0x3FB0] =	sst s6  }
0xf: {  	[smem:$0x3FB1] =	sst s7  }
0x10: {  	[smem:$0x3FB2] =	sst s8  }
0x11: {  	[smem:$0x3FB3] =	sst s9;
	s0 =	simm.s32 @!p0 $0x0  }
0x12: {  	s1 =	sld [smem:$0x3F99];
	s0 =	simm.s32 @p0 $0x1  }
0x13: {  	[smem:$0x3FB4] =	sst s0;
	s0 =	simm.s32 @!p1 $0x0  }
0x14: {  	s2 =	sld [smem:$0x3F98];
	s0 =	simm.s32 @p1 $0x1  }
0x15: {  	[smem:$0x3FB5] =	sst s0;
	s0 =	simm.s32 @!p2 $0x0  }
0x16: {  	s3 =	sld [smem:$0x3FDB];
	s0 =	simm.s32 @p2 $0x1  }
0x17: {  	s4 =	simm.s32 $0x1BF5;
	[smem:$0x3FB7] =	sst s0  }
0x18: {  	s0 =	sld [smem:$0x3F9A];
	_ =	swait.ge [sflag:s4], $0x0  }
0x19: {  	s7 =	sld [smem:$0x3F9B]  }
0x1a: {  	s8 =	sadd.s32 $0xFFFFE003, lr  }
0x1b: {  	s9 =	sadd.s32 $0xFFFFFEF7, lr;
	s5 =	simm.s32 $0xFFFFFFFF;
	p2 =	slt.u32 s8, $0xFFFFF086  }
0x1c: {  	p1 =	slt.u32 s9, $0xF7A;
	s5 =	simm.s32 @!p2 $0x0  }
0x1d: {  	s5 =	simm.s32 @p1 $0x1;
	p0 =	seq.s32 s7, s2  }
0x1e: {  	s7 =	smul.u32 @!p0 $0xF7A, s2;
	p2 =	seq.s32 @!p0 s5, $0x0  }
0x1f: {  	s9 =	smul.u32 $0xF7A, s1;
	s8 =	simm.s32 @!p0 $0x1BF5;
	p2 =	por !p2, p0  }
0x20: {  	[sflag:s8] =	ssyncset.s32 @!p0 $0xFFFFF086;
	s6 =	sadd.s32 @!p0 s3, s7;
	s7 =	simm.s32 @!p0 $0x108  }
0x21: {  	s3 =	sadd.s32 s3, s9;
	s6 =	sadd.s32 @!p0 $0x88, s6;
	s7 =	simm.s32 @p2 $0x1082  }
0x22: {  	[simem:s7], [sflag:s8] =	dma.local @!p0 [hbm:s6], $0xF7A  }
0x23: {  	s9 =	sor.u32 $0xD0000000, s2;
	s6 =	simm.s32 $0x108;
	_ =	swait.ge @!p0 [sflag:s8], $0x0  }
0x24: {  	s3 =	sadd.s32 $0x88, s3;
	s6 =	simm.s32 @!p1 $0x1082;
	[sflag:s4] =	ssyncset.s32 $0xFFFFF086  }
0x25: {  	[simem:s6], [sflag:s4] =	dma.local [hbm:s3], $0xF7A  }
0x26: {  	[smem:$0x3F9B] =	sst s1;
	(tag) =	ssettag s2;
	_ =	strace s9  }
0x27: {  	s1 =	sld [smem:$0x3FAB]  }
0x28: {  	s2 =	sld [smem:$0x3FAC]  }
0x29: {  	s4 =	sld [smem:$0x3FAE]  }
0x2a: {  	p0 =	seq.s32 s5, $0x0;
	s5 =	sld [smem:$0x3FAF]  }
0x2b: {  	s6 =	sld [smem:$0x3FB0]  }
0x2c: {  	s7 =	sld [smem:$0x3FB1]  }
0x2d: {  	s3 =	simm.s32 $0x108;
	s8 =	sld [smem:$0x3FB2]  }
0x2e: {  	s3 =	simm.s32 @!p0 $0x1082;
	s9 =	sld [smem:$0x3FB3]  }
0x2f: {  	lr =	sadd.s32 s0, s3;
	s0 =	sld [smem:$0x3FAA]  }
0x30: {  	s3 =	sld [smem:$0x3FAD]  }
0x31: {  	[smem:$0x3FB6] =	sst s10  }
0x32: {  	s10 =	sld [smem:$0x3FB4];
	_ =	sdelay $0x3  }
0x33: {  	p0 =	seq.s32 s10, $0x1;
	s10 =	sld [smem:$0x3FB6];
	_ =	sdelay $0x3  }
0x34: {  	[smem:$0x3FB6] =	sst s10  }
0x35: {  	s10 =	sld [smem:$0x3FB5];
	_ =	sdelay $0x3  }
0x36: {  	p1 =	seq.s32 s10, $0x1;
	s10 =	sld [smem:$0x3FB6];
	_ =	sdelay $0x3  }
0x37: {  	[smem:$0x3FB6] =	sst s10  }
0x38: {  	s10 =	sld [smem:$0x3FB7]  }
0x39: {  	_ = 	snop;
	(pc) =	sbr.ind lr, $3  }
0x3a: {  	_ = 	snop  }
0x3b: {  	_ = 	snop  }
0x3c: {  	p2 =	seq.s32 s10, $0x1;
	s10 =	sld [smem:$0x3FB6]  }
0x3d: {  	_ =	shalt  }
0x3e: {  	_ =	shalt  }
0x3f: {  	_ =	shalt  }
0x40: {  	_ =	shalt  }
0x41: {  	_ =	shalt  }
0x42: {  	_ =	shalt  }
0x43: {  	_ =	shalt  }
0x44: {  	_ =	shalt  }
0x45: {  	_ =	shalt  }
0x46: {  	_ =	shalt  }
0x47: {  	_ =	shalt  }
0x48: {  	_ =	shalt  }
0x49: {  	_ =	shalt  }
0x4a: {  	_ =	shalt  }
0x4b: {  	_ =	shalt  }
0x4c: {  	_ =	shalt  }
0x4d: {  	_ =	shalt  }
0x4e: {  	_ =	shalt  }
0x4f: {  	_ =	shalt  }
0x50: {  	_ =	shalt  }
0x51: {  	_ =	shalt  }
0x52: {  	_ =	shalt  }
0x53: {  	_ =	shalt  }
0x54: {  	_ =	shalt  }
0x55: {  	_ =	shalt  }
0x56: {  	_ =	shalt  }
0x57: {  	_ =	shalt  }
0x58: {  	_ =	shalt  }
0x59: {  	_ =	shalt  }
0x5a: {  	_ =	shalt  }
0x5b: {  	_ =	shalt  }
0x5c: {  	_ =	shalt  }
0x5d: {  	_ =	shalt  }
0x5e: {  	_ =	shalt  }
0x5f: {  	_ =	shalt  }
0x60: {  	_ =	shalt  }
0x61: {  	_ =	shalt  }
0x62: {  	_ =	shalt  }
0x63: {  	_ =	shalt  }
0x64: {  	_ =	shalt  }
0x65: {  	_ =	shalt  }
0x66: {  	_ =	shalt  }
0x67: {  	_ =	shalt  }
0x68: {  	_ =	shalt  }
0x69: {  	_ =	shalt  }
0x6a: {  	_ =	shalt  }
0x6b: {  	_ =	shalt  }
0x6c: {  	_ =	shalt  }
0x6d: {  	_ =	shalt  }
0x6e: {  	_ =	shalt  }
0x6f: {  	_ =	shalt  }
0x70: {  	_ =	shalt  }
0x71: {  	_ =	shalt  }
0x72: {  	_ =	shalt  }
0x73: {  	_ =	shalt  }
0x74: {  	_ =	shalt  }
0x75: {  	_ =	shalt  }
0x76: {  	_ =	shalt  }
0x77: {  	_ =	shalt  }
0x78: {  	_ =	shalt  }
0x79: {  	_ =	shalt  }
0x7a: {  	_ =	shalt  }
0x7b: {  	_ =	shalt  }
0x7c: {  	_ =	shalt  }
0x7d: {  	_ =	shalt  }
0x7e: {  	_ =	shalt  }
0x7f: {  	_ =	shalt  }
0x80: {  	_ =	shalt  }
0x81: {  	_ =	shalt  }
0x82: {  	_ =	shalt  }
0x83: {  	_ =	shalt  }
0x84: {  	_ =	shalt  }
0x85: {  	_ =	shalt  }
0x86: {  	_ =	shalt  }
0x87: {  	_ =	shalt  }
.Lfunc_end0:
.L_simem_size_0:
called_computation.2_lowered:
.L_overlay_start_0:
0x88: {  	s2 =	sld [smem:$0x3FD9]  }
0x89: {  	s3 =	sld [smem:$0x3FFE];
	_ =	sdelay $0x1  }
0x8a: {  	s1 =	srdreg.scid  }
0x8b: {  	s0 =	sand.u32 $0x1, s1  }
0x8c: {  	s17 =	sshll.u32 s0, $0xA;
	s2 =	sadd.s32 s3, s2  }
0x8d: {  	s2 =	sadd.s32 s2, s17  }
0x8e: {  	[smem:$0x3FC2] =	sst s2  }
0x8f: {  	_ = 	snop  }
0x90: {  	s2 =	sld [smem:$0x3FD0];
	(tm) =	ssettm $0x1  }
0x91: {  	s18 =	sld [smem:$0x3FFB];
	_ =	sdelay $0x3  }
0x92: {  	_ =	strace s18  }
0x93: {  	s3 =	sld [smem:$0x3FFC];
	_ =	sdelay $0x3  }
0x94: {  	_ =	strace s3  }
0x95: {  	s3 =	sld [smem:$0x3FFD];
	_ =	sdelay $0x3  }
0x96: {  	_ =	strace s3  }
0x97: {  	_ =	strace $0x8FFFFFFF  }
0x98: {  	s19 =	sld [smem:$0x3FDB];
	_ =	sdelay $0x1  }
0x99: {  	s4 =	simm.s32 $_scs_section_size  }
0x9a: {  	s5 =	simm.s32 $_size__tile_overlayer_lowered;
	s6 =	simm.s32 $_tile_overlayer_lowered  }
0x9b: {  	s22 =	simm.s32 $0x1BFF;
	s21 =	sshll.u32 s6, $0x1;
	s3 =	sadd.s32 s4, s19  }
0x9c: {  	s7 =	simm.s32 $0x0;
	s20 =	sshll.u32 s5, $0x1;
	s5 =	sadd.s32 s21, s3  }
0x9d: {  	[timem:s7], [sflag:s22] =	dma.local [hbm:s5], s20  }
0x9e: {  	_ =	swait.ge [sflag:s22], s20  }
0x9f: {  	s4 =	ssub.s32 $0x0, s20;
	[sflag:s22] =	ssyncset.done $0x0  }
0xa0: {  	[sflag:s22] =	ssyncadd.s32 s4;
	_ =	sdelay $0x1  }
0xa1: {  	s23 =	simm.s32 $0x1B8B  }
0xa2: {  	_ =	swait.ge [sflag:s23], $0x1  }
0xa3: {  	[sflag:s23] =	ssyncset.done $0x0  }
0xa4: {  	s25 =	simm.s32 $0x1B8E;
	s24 =	sld [smem:$0x3FFE];
	[sflag:s23] =	ssyncadd.s32 $0xFFFFFFFF  }
0xa5: {  	s26 =	simm.s32 $execute0_lowered;
	[smem:$0x3FD2] =	sst s25  }
0xa6: {  	s5 =	sshll.u32 s26, $0x1;
	_ =	strace $0x8000004C;
	[dreg:$0x1] =	wrdreg $0xFFFFFFFF  }
0xa7: {  	s28 =	simm.s32 $_size_execute0_lowered;
	s3 =	sadd.s32 s3, s5;
	[dreg:$0x0] =	wrdreg $0x0  }
0xa8: {  	s5 =	sshll.u32 s28, $0x1;
	[dreg:$0x2] =	wrdreg s3  }
0xa9: {  	[dreg:$0x3] =	wrdreg s5  }
0xaa: {  	[dreg:$0x4] =	wrdreg $0xC0  }
0xab: {  	_ =	task [dreg:s7], $0x5FFFF  }
0xac: {  	[dreg:$0x1] =	wrdreg $0xFFFFFFFF  }
0xad: {  	[dreg:$0x0] =	wrdreg $0x60  }
0xae: {  	[dreg:$0x2] =	wrdreg s24  }
0xaf: {  	[dreg:$0x3] =	wrdreg s2  }
0xb0: {  	[dreg:$0x4] =	wrdreg $0x0  }
0xb1: {  	[dreg:$0x5] =	wrdreg $0x9  }
0xb2: {  	_ =	task.clear_ibuf [dreg:s7], $0x6FFFF;
	_ =	strace $0x9000004C  }
0xb3: {  	s29 =	simm.s32 $0x9;
	_ =	strace $0x8000004E  }
0xb4: {  	_ =	swait.ge [sflag:s29], $0x1  }
0xb5: {  	[sflag:s29] =	ssyncadd.s32 $0xFFFFFFFF  }
0xb6: {  	_ =	strace $0x9000004E  }
0xb7: {  	_ =	sfence  }
0xb8: {  	s30 =	sld [smem:$0x0];
	_ =	sdelay $0x2  }
0xb9: {  	s31 =	sshll.u32 s1, $0xD;
	s1 =	sshrl.u32 s1, $0x2  }
0xba: {  	s3 =	sand.u32 $0x4000, s31;
	s1 =	sadd.s32 s1, s30  }
0xbb: {  	s0 =	sor.u32 s3, s0;
	s1 =	sshll.u32 s1, $0x11  }
0xbc: {  	s0 =	sor.u32 s1, s0  }
0xbd: {  	s0 =	sadd.s32 $0x8F2B, s0  }
0xbe: {  	[sflag:s0] =	ssyncadd.remote.s32 $0x1  }
0xbf: {  	_ =	sfence.sel $0xFFFF  }
0xc0: {  	[dreg:$0x0] =	wrdreg $0xFFFFFFFF;
	(pc) =	sbr.abs _section_cstart, $3  }
0xc1: {  	[dreg:$0x1] =	wrdreg $0xFFFFFFFF  }
0xc2: {  	_ =	task.clear_ibuf [dreg:s7], $0x2FFFF;
	_ =	strace $0x9FFFFFFF  }
0xc3: {  	(tm) =	ssettm $0x7FFFFFFF  }
tec
execute0_lowered:
.L_overlay_start_1:
0x0: {  	(tag) =	ssettag $0x1  }
0x1: {  	s5 =	rddreg [dreg:$0x0]  }
0x2: {  	s8 =	rddreg [dreg:$0x1]  }
0x3: {  	s2 =	rddreg [dreg:$0x2]  }
0x4: {  	s0 =	srdreg.scid;
	s1 =	rddreg [dreg:$0x3]  }
0x5: {  	s3 =	simm.s32 $0x0;
	s14 =	simm.s32 $0x19000;
	s6 =	sand.u32 $0x1, s0  }
0x6: {  	s15 =	simm.s32 $0x2;
	s0 =	stileid.u32;
	s4 =	smul.u32 $0x28000, s6  }
0x7: {  	s16 =	simm.s32 $0x14000;
	s17 =	simm.s32 $0x16800;
	s7 =	smul.u32 $0x2800, s0  }
0x8: {  	s18 =	simm.s32 $0x80;
	[smem:$0x7FF] =	sst s3;
	s9 =	smul.u32 $0x140000, s6  }
0x9: {  	s19 =	simm.s32 $0x1;
	s28 =	smul.u32 $0x14000, s0;
	_ =	strace $0x8000004D  }
0xa: {  	s11 =	smul.u32 $0x50000, s0;
	s6 =	ssub.s32 $0x2, s6;
	s20 =	sshll.u32 s0, $0x6  }
0xb: {  	s31 =	sshrl.u32 s6, $0x1;
	s20 =	sor.u32 $0x1C02, s20;
	s4 =	sadd.s32 s7, s4  }
0xc: {  	s7 =	sadd.s32 s28, s9;
	s29 =	sshrl.u32 s11, $0x2;
	s13 =	ssub.s32 s6, s31  }
0xd: {  	s10 =	sshrl.u32 s4, $0x3;
	s4 =	sadd.s32 $0x1E00, s5;
	s7 =	sshrl.u32 s7, $0x3  }
0xe: {  	s12 =	sadd.s32 s10, s5;
	s30 =	sadd.s32 s7, s5;
	s5 =	sadd.s32 s29, s2  }
0xf: {  	s8 =	sadd.s32 s8, s10;
	s10 =	smax.u32 s13, $0x1;
	s6 =	sadd.s32 $0x10000, s5  }
0x10: {  	s7 =	sadd.s32 $0x51E00, s12;
	s9 =	sadd.s32 $0x5BE00, s30;
	s11 =	sadd.s32 $0x4000, s5  }
0x11: {  	v0 =	vimm.f32 $0.0e+00;
	s12 =	sadd.s32 $0x8000, s5;
	s13 =	sadd.s32 $0xC000, s5;
	s21 =	sshrl.u32 s5, $0x3  }
.LBB2_1:
0x12: {  	s22 =	simm.s32 $0x0;
	s23 =	simm.s32 $0x200  }
.LBB2_2:
0x13: {  	p0 =	sne.s32 s23, $0xFE00;
	[tilespmem:s22+$0x19070] =	vst v0  }
0x14: {  	[tilespmem:s22+$0x19000] =	vst v0  }
0x15: {  	[tilespmem:s22+$0x19010] =	vst v0  }
.Ltmp0:
0x16: {  	[tilespmem:s22+$0x19020] =	vst v0;
	(pc) =	sbr.rel @p0 .LBB2_2-.Ltmp0, $4  }
0x17: {  	[tilespmem:s22+$0x19030] =	vst v0  }
0x18: {  	[tilespmem:s22+$0x19040] =	vst v0  }
0x19: {  	[tilespmem:s22+$0x19050] =	vst v0  }
0x1a: {  	[tilespmem:s22+$0x19060] =	vst v0;
	s22 =	sshra.s32 s23, $0x2;
	s23 =	sadd.s32 $0x200, s23  }
0x1b: {  	[tilespmem:s22+$0x19070] =	vst v0  }
0x1c: {  	[tilespmem:s22+$0x19000] =	vst v0  }
0x1d: {  	[tilespmem:s22+$0x19010] =	vst v0  }
0x1e: {  	[tilespmem:s22+$0x19020] =	vst v0  }
0x1f: {  	[tilespmem:s22+$0x19030] =	vst v0  }
0x20: {  	[tilespmem:s22+$0x19040] =	vst v0  }
0x21: {  	[tilespmem:s22+$0x19050] =	vst v0  }
0x22: {  	[tilespmem:s22+$0x19060] =	vst v0  }
0x23: {  	[spmem:s5] =	stream.linear.scatter [tilespmem:s14], [sflag:$0x2], $0x4000, $0x38;
	[tilespmem:$0x1D000] =	vst v63  }
0x24: {  	_ =	swait.ge [sflag:s15], $0x4000  }
0x25: {  	[sflag:s15] =	ssyncset.done $0x0  }
0x26: {  	[sflag:s15] =	ssyncadd.s32 $0xFFFFC000  }
0x27: {  	[spmem:s11] =	stream.linear.scatter [tilespmem:s14], [sflag:$0x2], $0x4000, $0x38;
	[tilespmem:$0x1D000] =	vst v63  }
0x28: {  	_ =	swait.ge [sflag:s15], $0x4000  }
0x29: {  	[sflag:s15] =	ssyncset.done $0x0  }
0x2a: {  	[sflag:s15] =	ssyncadd.s32 $0xFFFFC000  }
0x2b: {  	[spmem:s12] =	stream.linear.scatter [tilespmem:s14], [sflag:$0x2], $0x4000, $0x38;
	[tilespmem:$0x1D000] =	vst v63  }
0x2c: {  	_ =	swait.ge [sflag:s15], $0x4000  }
0x2d: {  	[sflag:s15] =	ssyncset.done $0x0  }
0x2e: {  	[sflag:s15] =	ssyncadd.s32 $0xFFFFC000  }
0x2f: {  	[spmem:s13] =	stream.linear.scatter [tilespmem:s14], [sflag:$0x2], $0x4000, $0x38;
	[tilespmem:$0x1D000] =	vst v63  }
0x30: {  	_ =	swait.ge [sflag:s15], $0x4000  }
0x31: {  	[sflag:s15] =	ssyncset.done $0x0  }
0x32: {  	[sflag:s15] =	ssyncadd.s32 $0xFFFFC000  }
0x33: {  	[spmem:s6] =	stream.linear.scatter [tilespmem:s14], [sflag:$0x2], $0x4000, $0x38;
	[tilespmem:$0x1D000] =	vst v63  }
0x34: {  	_ =	swait.ge [sflag:s15], $0x4000  }
0x35: {  	[sflag:s15] =	ssyncset.done $0x0  }
0x36: {  	[sflag:s15] =	ssyncadd.s32 $0xFFFFC000  }
0x37: {  	s29 =	simm.s32 $0x0;
	[bflag:$0x0] =	sbarrier.arrive $0xFFFF  }
0x38: {  	[tilespmem:s16], [sflag:$0x2] =	stream.linear.gather [hbm4b:s7+s29], $0x2780, $0x38;
	[tilespmem:$0x1D000] =	vst v63  }
0x39: {  	_ =	swait.ge [sflag:s15], $0x2780  }
0x3a: {  	[sflag:s15] =	ssyncset.done $0x0  }
0x3b: {  	[sflag:s15] =	ssyncadd.s32 $0xFFFFD880  }
0x3c: {  	[tilespmem:s17], [sflag:$0x2] =	stream.linear.gather [hbm4b:s8+s29], $0x2780, $0x38;
	[tilespmem:$0x1D000] =	vst v63  }
0x3d: {  	_ =	swait.ge [sflag:s15], $0x2780  }
0x3e: {  	[sflag:s15] =	ssyncset.done $0x0  }
0x3f: {  	s30 =	simm.s32 $0x14000;
	[sflag:s15] =	ssyncadd.s32 $0xFFFFD880  }
0x40: {  	[tilespmem:s14], [sflag:$0x1] =	stream.indirect.gather [hbm4b:s4+s18], $0x80, s30, s18, $0xb8;
	[tilespmem:$0x1D000] =	vst v63  }
0x41: {  	_ =	swait.ge [sflag:s19], $0x4000  }
0x42: {  	[sflag:s19] =	ssyncset.done $0x0  }
0x43: {  	s31 =	simm.s32 $0x16800;
	[sflag:s19] =	ssyncadd.s32 $0xFFFFC000  }
0x44: {  	[spmem:s2] =	stream.indirect.scatter.add.f32 [tilespmem:s14], [sflag:$0x2], $0x80, s31, s18, $0xb8;
	[tilespmem:$0x1D000] =	vst v63  }
0x45: {  	_ =	swait.ge [sflag:s15], $0x4000  }
0x46: {  	s23 =	simm.s32 $0x400;
	s22 =	simm.s32 $0x80;
	[sflag:s15] =	ssyncset.done $0x0  }
.LBB2_4:
0x47: {  	s24 =	sadd.s32 $0x14000, s22  }
0x48: {  	[sflag:s15] =	ssyncadd.s32 $0xFFFFC000;
	s25 =	smov.u32 s23;
	s26 =	sadd.s32 $0x200, s23  }
0x49: {  	[tilespmem:s14], [sflag:$0x1] =	stream.indirect.gather [hbm4b:s4+s18], $0x80, s24, s18, $0xb8;
	[tilespmem:$0x1D000] =	vst v63  }
0x4a: {  	p0 =	sne.s32 s23, $0x9C00;
	_ =	swait.ge [sflag:s19], $0x4000  }
.Ltmp1:
0x4b: {  	[sflag:s19] =	ssyncset.done $0x0;
	(pc) =	sbr.rel @p0 .LBB2_4-.Ltmp1, $4  }
0x4c: {  	s22 =	sadd.s32 $0x16800, s22;
	[sflag:s19] =	ssyncadd.s32 $0xFFFFC000  }
0x4d: {  	[spmem:s2] =	stream.indirect.scatter.add.f32 [tilespmem:s14], [sflag:$0x2], $0x80, s22, s18, $0xb8;
	[tilespmem:$0x1D000] =	vst v63  }
0x4e: {  	_ =	swait.ge [sflag:s15], $0x4000  }
0x4f: {  	s23 =	smov.u32 s26;
	s22 =	sshra.s32 s25, $0x2;
	[sflag:s15] =	ssyncset.done $0x0  }
0x50: {  	s23 =	sadd.s32 $0x14000, s22;
	[sflag:s15] =	ssyncadd.s32 $0xFFFFC000  }
0x51: {  	[tilespmem:s14], [sflag:$0x1] =	stream.indirect.gather [hbm4b:s4+s18], $0x80, s23, s18, $0xb8;
	[tilespmem:$0x1D000] =	vst v63  }
0x52: {  	_ =	swait.ge [sflag:s19], $0x4000  }
0x53: {  	[sflag:s19] =	ssyncset.done $0x0  }
0x54: {  	s31 =	sadd.s32 $0x16800, s22;
	[sflag:s19] =	ssyncadd.s32 $0xFFFFC000  }
0x55: {  	[spmem:s2] =	stream.indirect.scatter.add.f32 [tilespmem:s14], [sflag:$0x2], $0x80, s31, s18, $0xb8;
	[tilespmem:$0x1D000] =	vst v63  }
0x56: {  	_ =	swait.ge [sflag:s15], $0x4000  }
0x57: {  	s3 =	sadd.s32 $0x1, s3;
	[sflag:s15] =	ssyncset.done $0x0  }
0x58: {  	p0 =	sne.s32 s3, s10;
	[sflag:s15] =	ssyncadd.s32 $0xFFFFC000  }
.Ltmp2:
0x59: {  	[bflag:$0x0] =	sbarrier.arrive $0xFFFF;
	(pc) =	sbr.rel @p0 .LBB2_1-.Ltmp2, $4  }
0x5a: {  	[hbm:s9], [sflag:s20] =	dma.local [spmem:s21], $0x2800  }
0x5b: {  	_ =	swait.ge [sflag:s15], $0x2800  }
0x5c: {  	[sflag:s15] =	ssyncset.done $0x0  }
0x5d: {  	[sflag:s15] =	ssyncadd.s32 $0xFFFFD800  }
0x5e: {  	_ =	sfence.sel $0x180000  }
0x5f: {  	[bflag:$0x0] =	sbarrier.arrive $0xFFFF  }
0x60: {  	p0 =	sne.s32 s0, $0x0;
	_ =	strace $0x9000004D  }
0x61: {  	s0 =	sadd.s32 @!p0 $0x100000, s1;
	[bflag:$0x2] =	sbarrier.arrive $0xFFFF  }
0x62: {  	[sflag:s0] =	ssyncadd.tile.s32 @!p0 $0x1;
	_ =	shalt  }
.Lfunc_end2:
_tile_overlayer_lowered:
.L_overlay_start_2:
0x63: {  	(tag) =	ssettag $0x2  }
0x64: {  	s0 =	rddreg [dreg:$0x0];
	s2 =	stileid.u32  }
0x65: {  	s1 =	rddreg [dreg:$0x1];
	p0 =	sne.s32 s2, $0x0  }
0x66: {  	s3 =	rddreg [dreg:$0x2];
	[bflag:$0x3] =	sbarrier.arrive $0xFFFF;
	s2 =	simm.s32 @!p0 $0x1C02  }
0x67: {  	[timem:s3], [sflag:s2] =	dma.local @!p0 [hbm:s0], s1  }
0x68: {  	s0 =	simm.s32 @!p0 $0x2  }
0x69: {  	_ =	swait.ge @!p0 [sflag:s0], s1  }
0x6a: {  	s1 =	ssub.s32 @!p0 $0x0, s1;
	[sflag:s0] =	ssyncset.done @!p0 $0x0  }
0x6b: {  	[sflag:s0] =	ssyncadd.s32 @!p0 s1  }
0x6c: {  	[bflag:$0x3] =	sbarrier.arrive $0xFFFF  }
0x6d: {  	_ =	shalt  }

// kernel: kernel.9.cloned.1.call-start
scs
__scs_entry_jumppad:
0x0: {  	(pc) =	sbr.rel $0x88, $3  }
0x1: {  	(tag) =	ssettag $0x0;
	lr =	simm.s32 $0x1  }
0x2: {  	[smem:$0x3F9B] =	sst lr;
	_ =	strace $0xD0000000  }
0x3: {  	_ = 	snop  }
0x4: {  	_ = 	snop  }
0x5: {  	_ = 	snop  }
0x6: {  	_ = 	snop  }
0x7: {  	_ = 	snop  }
__scs_overlays_trampoline_lowered:
0x8: {  	[smem:$0x3FAA] =	sst s0  }
0x9: {  	[smem:$0x3FAB] =	sst s1  }
0xa: {  	[smem:$0x3FAC] =	sst s2  }
0xb: {  	[smem:$0x3FAD] =	sst s3  }
0xc: {  	[smem:$0x3FAE] =	sst s4  }
0xd: {  	[smem:$0x3FAF] =	sst s5  }
0xe: {  	[smem:$0x3FB0] =	sst s6  }
0xf: {  	[smem:$0x3FB1] =	sst s7  }
0x10: {  	[smem:$0x3FB2] =	sst s8  }
0x11: {  	[smem:$0x3FB3] =	sst s9;
	s0 =	simm.s32 @!p0 $0x0  }
0x12: {  	s1 =	sld [smem:$0x3F99];
	s0 =	simm.s32 @p0 $0x1  }
0x13: {  	[smem:$0x3FB4] =	sst s0;
	s0 =	simm.s32 @!p1 $0x0  }
0x14: {  	s2 =	sld [smem:$0x3F98];
	s0 =	simm.s32 @p1 $0x1  }
0x15: {  	[smem:$0x3FB5] =	sst s0;
	s0 =	simm.s32 @!p2 $0x0  }
0x16: {  	s3 =	sld [smem:$0x3FDB];
	s0 =	simm.s32 @p2 $0x1  }
0x17: {  	s4 =	simm.s32 $0x1BF5;
	[smem:$0x3FB7] =	sst s0  }
0x18: {  	s0 =	sld [smem:$0x3F9A];
	_ =	swait.ge [sflag:s4], $0x0  }
0x19: {  	s7 =	sld [smem:$0x3F9B]  }
0x1a: {  	s8 =	sadd.s32 $0xFFFFE003, lr  }
0x1b: {  	s9 =	sadd.s32 $0xFFFFFEF7, lr;
	s5 =	simm.s32 $0xFFFFFFFF;
	p2 =	slt.u32 s8, $0xFFFFF086  }
0x1c: {  	p1 =	slt.u32 s9, $0xF7A;
	s5 =	simm.s32 @!p2 $0x0  }
0x1d: {  	s5 =	simm.s32 @p1 $0x1;
	p0 =	seq.s32 s7, s2  }
0x1e: {  	s7 =	smul.u32 @!p0 $0xF7A, s2;
	p2 =	seq.s32 @!p0 s5, $0x0  }
0x1f: {  	s9 =	smul.u32 $0xF7A, s1;
	s8 =	simm.s32 @!p0 $0x1BF5;
	p2 =	por !p2, p0  }
0x20: {  	[sflag:s8] =	ssyncset.s32 @!p0 $0xFFFFF086;
	s6 =	sadd.s32 @!p0 s3, s7;
	s7 =	simm.s32 @!p0 $0x108  }
0x21: {  	s3 =	sadd.s32 s3, s9;
	s6 =	sadd.s32 @!p0 $0x88, s6;
	s7 =	simm.s32 @p2 $0x1082  }
0x22: {  	[simem:s7], [sflag:s8] =	dma.local @!p0 [hbm:s6], $0xF7A  }
0x23: {  	s9 =	sor.u32 $0xD0000000, s2;
	s6 =	simm.s32 $0x108;
	_ =	swait.ge @!p0 [sflag:s8], $0x0  }
0x24: {  	s3 =	sadd.s32 $0x88, s3;
	s6 =	simm.s32 @!p1 $0x1082;
	[sflag:s4] =	ssyncset.s32 $0xFFFFF086  }
0x25: {  	[simem:s6], [sflag:s4] =	dma.local [hbm:s3], $0xF7A  }
0x26: {  	[smem:$0x3F9B] =	sst s1;
	(tag) =	ssettag s2;
	_ =	strace s9  }
0x27: {  	s1 =	sld [smem:$0x3FAB]  }
0x28: {  	s2 =	sld [smem:$0x3FAC]  }
0x29: {  	s4 =	sld [smem:$0x3FAE]  }
0x2a: {  	p0 =	seq.s32 s5, $0x0;
	s5 =	sld [smem:$0x3FAF]  }
0x2b: {  	s6 =	sld [smem:$0x3FB0]  }
0x2c: {  	s7 =	sld [smem:$0x3FB1]  }
0x2d: {  	s3 =	simm.s32 $0x108;
	s8 =	sld [smem:$0x3FB2]  }
0x2e: {  	s3 =	simm.s32 @!p0 $0x1082;
	s9 =	sld [smem:$0x3FB3]  }
0x2f: {  	lr =	sadd.s32 s0, s3;
	s0 =	sld [smem:$0x3FAA]  }
0x30: {  	s3 =	sld [smem:$0x3FAD]  }
0x31: {  	[smem:$0x3FB6] =	sst s10  }
0x32: {  	s10 =	sld [smem:$0x3FB4];
	_ =	sdelay $0x3  }
0x33: {  	p0 =	seq.s32 s10, $0x1;
	s10 =	sld [smem:$0x3FB6];
	_ =	sdelay $0x3  }
0x34: {  	[smem:$0x3FB6] =	sst s10  }
0x35: {  	s10 =	sld [smem:$0x3FB5];
	_ =	sdelay $0x3  }
0x36: {  	p1 =	seq.s32 s10, $0x1;
	s10 =	sld [smem:$0x3FB6];
	_ =	sdelay $0x3  }
0x37: {  	[smem:$0x3FB6] =	sst s10  }
0x38: {  	s10 =	sld [smem:$0x3FB7]  }
0x39: {  	_ = 	snop;
	(pc) =	sbr.ind lr, $3  }
0x3a: {  	_ = 	snop  }
0x3b: {  	_ = 	snop  }
0x3c: {  	p2 =	seq.s32 s10, $0x1;
	s10 =	sld [smem:$0x3FB6]  }
0x3d: {  	_ =	shalt  }
0x3e: {  	_ =	shalt  }
0x3f: {  	_ =	shalt  }
0x40: {  	_ =	shalt  }
0x41: {  	_ =	shalt  }
0x42: {  	_ =	shalt  }
0x43: {  	_ =	shalt  }
0x44: {  	_ =	shalt  }
0x45: {  	_ =	shalt  }
0x46: {  	_ =	shalt  }
0x47: {  	_ =	shalt  }
0x48: {  	_ =	shalt  }
0x49: {  	_ =	shalt  }
0x4a: {  	_ =	shalt  }
0x4b: {  	_ =	shalt  }
0x4c: {  	_ =	shalt  }
0x4d: {  	_ =	shalt  }
0x4e: {  	_ =	shalt  }
0x4f: {  	_ =	shalt  }
0x50: {  	_ =	shalt  }
0x51: {  	_ =	shalt  }
0x52: {  	_ =	shalt  }
0x53: {  	_ =	shalt  }
0x54: {  	_ =	shalt  }
0x55: {  	_ =	shalt  }
0x56: {  	_ =	shalt  }
0x57: {  	_ =	shalt  }
0x58: {  	_ =	shalt  }
0x59: {  	_ =	shalt  }
0x5a: {  	_ =	shalt  }
0x5b: {  	_ =	shalt  }
0x5c: {  	_ =	shalt  }
0x5d: {  	_ =	shalt  }
0x5e: {  	_ =	shalt  }
0x5f: {  	_ =	shalt  }
0x60: {  	_ =	shalt  }
0x61: {  	_ =	shalt  }
0x62: {  	_ =	shalt  }
0x63: {  	_ =	shalt  }
0x64: {  	_ =	shalt  }
0x65: {  	_ =	shalt  }
0x66: {  	_ =	shalt  }
0x67: {  	_ =	shalt  }
0x68: {  	_ =	shalt  }
0x69: {  	_ =	shalt  }
0x6a: {  	_ =	shalt  }
0x6b: {  	_ =	shalt  }
0x6c: {  	_ =	shalt  }
0x6d: {  	_ =	shalt  }
0x6e: {  	_ =	shalt  }
0x6f: {  	_ =	shalt  }
0x70: {  	_ =	shalt  }
0x71: {  	_ =	shalt  }
0x72: {  	_ =	shalt  }
0x73: {  	_ =	shalt  }
0x74: {  	_ =	shalt  }
0x75: {  	_ =	shalt  }
0x76: {  	_ =	shalt  }
0x77: {  	_ =	shalt  }
0x78: {  	_ =	shalt  }
0x79: {  	_ =	shalt  }
0x7a: {  	_ =	shalt  }
0x7b: {  	_ =	shalt  }
0x7c: {  	_ =	shalt  }
0x7d: {  	_ =	shalt  }
0x7e: {  	_ =	shalt  }
0x7f: {  	_ =	shalt  }
0x80: {  	_ =	shalt  }
0x81: {  	_ =	shalt  }
0x82: {  	_ =	shalt  }
0x83: {  	_ =	shalt  }
0x84: {  	_ =	shalt  }
0x85: {  	_ =	shalt  }
0x86: {  	_ =	shalt  }
0x87: {  	_ =	shalt  }
.Lfunc_end0:
.L_simem_size_0:
called_computation_lowered:
.L_overlay_start_0:
0x88: {  	s2 =	sld [smem:$0x3FD9]  }
0x89: {  	s3 =	sld [smem:$0x3FFE];
	_ =	sdelay $0x1  }
0x8a: {  	s1 =	srdreg.scid  }
0x8b: {  	s0 =	sand.u32 $0x1, s1  }
0x8c: {  	s17 =	sshll.u32 s0, $0xA;
	s2 =	sadd.s32 s3, s2  }
0x8d: {  	s2 =	sadd.s32 s2, s17  }
0x8e: {  	[smem:$0x3FC2] =	sst s2  }
0x8f: {  	_ = 	snop  }
0x90: {  	s2 =	sld [smem:$0x3FD0];
	(tm) =	ssettm $0x1  }
0x91: {  	s18 =	sld [smem:$0x3FFB];
	_ =	sdelay $0x3  }
0x92: {  	_ =	strace s18  }
0x93: {  	s3 =	sld [smem:$0x3FFC];
	_ =	sdelay $0x3  }
0x94: {  	_ =	strace s3  }
0x95: {  	s3 =	sld [smem:$0x3FFD];
	_ =	sdelay $0x3  }
0x96: {  	_ =	strace s3  }
0x97: {  	_ =	strace $0x8FFFFFFF  }
0x98: {  	s19 =	sld [smem:$0x3FDB];
	_ =	sdelay $0x1  }
0x99: {  	s4 =	simm.s32 $_scs_section_size  }
0x9a: {  	s5 =	simm.s32 $_size__tile_overlayer_lowered;
	s6 =	simm.s32 $_tile_overlayer_lowered  }
0x9b: {  	s22 =	simm.s32 $0x1BFF;
	s21 =	sshll.u32 s6, $0x1;
	s3 =	sadd.s32 s4, s19  }
0x9c: {  	s7 =	simm.s32 $0x0;
	s20 =	sshll.u32 s5, $0x1;
	s5 =	sadd.s32 s21, s3  }
0x9d: {  	[timem:s7], [sflag:s22] =	dma.local [hbm:s5], s20  }
0x9e: {  	_ =	swait.ge [sflag:s22], s20  }
0x9f: {  	s4 =	ssub.s32 $0x0, s20;
	[sflag:s22] =	ssyncset.done $0x0  }
0xa0: {  	[sflag:s22] =	ssyncadd.s32 s4;
	_ =	sdelay $0x1  }
0xa1: {  	s23 =	simm.s32 $0x1B8B  }
0xa2: {  	_ =	swait.ge [sflag:s23], $0x1  }
0xa3: {  	[sflag:s23] =	ssyncset.done $0x0  }
0xa4: {  	s25 =	simm.s32 $0x1B8E;
	s24 =	sld [smem:$0x3FFE];
	[sflag:s23] =	ssyncadd.s32 $0xFFFFFFFF  }
0xa5: {  	s26 =	simm.s32 $execute0_lowered;
	[smem:$0x3FD2] =	sst s25  }
0xa6: {  	s5 =	sshll.u32 s26, $0x1;
	_ =	strace $0x80000046;
	[dreg:$0x1] =	wrdreg $0xFFFFFFFF  }
0xa7: {  	s28 =	simm.s32 $_size_execute0_lowered;
	s3 =	sadd.s32 s3, s5;
	[dreg:$0x0] =	wrdreg $0x0  }
0xa8: {  	s5 =	sshll.u32 s28, $0x1;
	[dreg:$0x2] =	wrdreg s3  }
0xa9: {  	[dreg:$0x3] =	wrdreg s5  }
0xaa: {  	[dreg:$0x4] =	wrdreg $0xC0  }
0xab: {  	_ =	task [dreg:s7], $0x5FFFF  }
0xac: {  	[dreg:$0x1] =	wrdreg $0xFFFFFFFF  }
0xad: {  	[dreg:$0x0] =	wrdreg $0x60  }
0xae: {  	[dreg:$0x2] =	wrdreg s2  }
0xaf: {  	[dreg:$0x3] =	wrdreg s24  }
0xb0: {  	[dreg:$0x4] =	wrdreg $0x0  }
0xb1: {  	[dreg:$0x5] =	wrdreg $0x9  }
0xb2: {  	_ =	task.clear_ibuf [dreg:s7], $0x6FFFF;
	_ =	strace $0x90000046  }
0xb3: {  	s29 =	simm.s32 $0x9;
	_ =	strace $0x80000048  }
0xb4: {  	_ =	swait.ge [sflag:s29], $0x1  }
0xb5: {  	[sflag:s29] =	ssyncadd.s32 $0xFFFFFFFF  }
0xb6: {  	_ =	strace $0x90000048  }
0xb7: {  	_ =	sfence  }
0xb8: {  	s30 =	sld [smem:$0x0];
	_ =	sdelay $0x2  }
0xb9: {  	s31 =	sshll.u32 s1, $0xD;
	s1 =	sshrl.u32 s1, $0x2  }
0xba: {  	s3 =	sand.u32 $0x4000, s31;
	s1 =	sadd.s32 s1, s30  }
0xbb: {  	s0 =	sor.u32 s3, s0;
	s1 =	sshll.u32 s1, $0x11  }
0xbc: {  	s0 =	sor.u32 s1, s0  }
0xbd: {  	s0 =	sadd.s32 $0x8F2B, s0  }
0xbe: {  	[sflag:s0] =	ssyncadd.remote.s32 $0x1  }
0xbf: {  	_ =	sfence.sel $0xFFFF  }
0xc0: {  	[dreg:$0x0] =	wrdreg $0xFFFFFFFF;
	(pc) =	sbr.abs _section_cstart, $3  }
0xc1: {  	[dreg:$0x1] =	wrdreg $0xFFFFFFFF  }
0xc2: {  	_ =	task.clear_ibuf [dreg:s7], $0x2FFFF;
	_ =	strace $0x9FFFFFFF  }
0xc3: {  	(tm) =	ssettm $0x7FFFFFFF  }
tec
execute0_lowered:
.L_overlay_start_1:
0x0: {  	(tag) =	ssettag $0x1  }
0x1: {  	s6 =	rddreg [dreg:$0x0]  }
0x2: {  	s0 =	srdreg.scid;
	s4 =	rddreg [dreg:$0x1]  }
0x3: {  	s2 =	rddreg [dreg:$0x2];
	s5 =	sand.u32 $0x1, s0  }
0x4: {  	s0 =	stileid.u32;
	s7 =	smul.u32 $0x140000, s5  }
0x5: {  	s1 =	rddreg [dreg:$0x3];
	s3 =	simm.s32 $0x0;
	s8 =	smul.u32 $0x14000, s0  }
0x6: {  	s12 =	simm.s32 $0x9000;
	s13 =	simm.s32 $0x1;
	s9 =	smul.u32 $0x50000, s0  }
0x7: {  	s14 =	simm.s32 $0x2800;
	s15 =	simm.s32 $0x80;
	s29 =	smul.u32 $0x28000, s5  }
0x8: {  	s16 =	simm.s32 $0x5000;
	[smem:$0x7FF] =	sst s3;
	s10 =	smul.u32 $0x2800, s0  }
0x9: {  	_ =	strace $0x80000047;
	s30 =	ssub.s32 $0x2, s5;
	s17 =	sshll.u32 s0, $0x6  }
0xa: {  	s5 =	sshrl.u32 s30, $0x1;
	s17 =	sor.u32 $0x1C01, s17;
	s7 =	sadd.s32 s8, s7  }
0xb: {  	s9 =	sshrl.u32 s9, $0x2;
	s8 =	sadd.s32 s10, s29;
	s7 =	sshrl.u32 s7, $0x3  }
0xc: {  	s31 =	ssub.s32 s30, s5;
	s8 =	sshrl.u32 s8, $0x3;
	s7 =	sadd.s32 s7, s4  }
0xd: {  	s4 =	sadd.s32 s9, s2;
	s6 =	sadd.s32 s6, s8;
	s8 =	smax.u32 s31, $0x1  }
0xe: {  	s5 =	sadd.s32 $0x10000, s4;
	s7 =	sadd.s32 $0x1E00, s7;
	s9 =	sadd.s32 $0x4000, s4  }
0xf: {  	v0 =	vimm.f32 $1.000000000e+00;
	v1 =	vimm.f32 $0.0e+00;
	s10 =	sadd.s32 $0x8000, s4;
	s11 =	sadd.s32 $0xC000, s4;
	s18 =	sshrl.u32 s4, $0x3  }
.LBB2_1:
0x10: {  	s19 =	simm.s32 $0x0  }
.LBB2_2:
0x11: {  	p0 =	sne.s32 s19, $0xFE00  }
.Ltmp0:
0x12: {  	_ = 	snop;
	(pc) =	sbr.rel @p0 .LBB2_2-.Ltmp0, $3  }
0x13: {  	_ =	sdelay $0x1  }
0x14: {  	s20 =	sshra.s32 s19, $0x2  }
0x15: {  	s19 =	sadd.s32 $0x200, s19;
	[tilespmem:s20+$0x5000] =	vst v0  }
0x16: {  	s19 =	simm.s32 $0x200;
	s20 =	simm.s32 $0x0  }
.LBB2_4:
0x17: {  	p0 =	sne.s32 s19, $0xFE00;
	[tilespmem:s20+$0x9000] =	vst v1;
	s20 =	smov.u32 s19;
	s19 =	sadd.s32 $0x200, s19  }
.Ltmp1:
0x18: {  	(pc) =	sbr.rel @p0 .LBB2_4-.Ltmp1, $2  }
0x19: {  	_ =	sdelay $0x2  }
0x1a: {  	s20 =	sshra.s32 s20, $0x2  }
0x1b: {  	[tilespmem:s20+$0x9000] =	vst v1  }
0x1c: {  	[spmem:s4] =	stream.linear.scatter [tilespmem:s12], [sflag:$0x1], $0x4000, $0x38;
	[tilespmem:$0xD000] =	vst v63  }
0x1d: {  	_ =	swait.ge [sflag:s13], $0x4000  }
0x1e: {  	[sflag:s13] =	ssyncset.done $0x0  }
0x1f: {  	[sflag:s13] =	ssyncadd.s32 $0xFFFFC000  }
0x20: {  	[spmem:s9] =	stream.linear.scatter [tilespmem:s12], [sflag:$0x1], $0x4000, $0x38;
	[tilespmem:$0xD000] =	vst v63  }
0x21: {  	_ =	swait.ge [sflag:s13], $0x4000  }
0x22: {  	[sflag:s13] =	ssyncset.done $0x0  }
0x23: {  	[sflag:s13] =	ssyncadd.s32 $0xFFFFC000  }
0x24: {  	[spmem:s10] =	stream.linear.scatter [tilespmem:s12], [sflag:$0x1], $0x4000, $0x38;
	[tilespmem:$0xD000] =	vst v63  }
0x25: {  	_ =	swait.ge [sflag:s13], $0x4000  }
0x26: {  	[sflag:s13] =	ssyncset.done $0x0  }
0x27: {  	[sflag:s13] =	ssyncadd.s32 $0xFFFFC000  }
0x28: {  	[spmem:s11] =	stream.linear.scatter [tilespmem:s12], [sflag:$0x1], $0x4000, $0x38;
	[tilespmem:$0xD000] =	vst v63  }
0x29: {  	_ =	swait.ge [sflag:s13], $0x4000  }
0x2a: {  	[sflag:s13] =	ssyncset.done $0x0  }
0x2b: {  	[sflag:s13] =	ssyncadd.s32 $0xFFFFC000  }
0x2c: {  	[spmem:s5] =	stream.linear.scatter [tilespmem:s12], [sflag:$0x1], $0x4000, $0x38;
	[tilespmem:$0xD000] =	vst v63  }
0x2d: {  	_ =	swait.ge [sflag:s13], $0x4000  }
0x2e: {  	[sflag:s13] =	ssyncset.done $0x0  }
0x2f: {  	[sflag:s13] =	ssyncadd.s32 $0xFFFFC000  }
0x30: {  	s19 =	simm.s32 $0x0;
	[bflag:$0x0] =	sbarrier.arrive $0xFFFF  }
0x31: {  	[tilespmem:s14], [sflag:$0x1] =	stream.linear.gather [hbm4b:s6+s19], $0x2780, $0x38;
	[tilespmem:$0xD000] =	vst v63  }
0x32: {  	_ =	swait.ge [sflag:s13], $0x2780  }
0x33: {  	[sflag:s13] =	ssyncset.done $0x0  }
0x34: {  	s31 =	simm.s32 $0x2800;
	[sflag:s13] =	ssyncadd.s32 $0xFFFFD880  }
0x35: {  	[spmem:s2] =	stream.indirect.scatter.add.f32 [tilespmem:s16], [sflag:$0x1], $0x10, s31, s15, $0xb8;
	[tilespmem:$0xD000] =	vst v63  }
0x36: {  	s19 =	simm.s32 $0x200;
	_ =	swait.ge [sflag:s13], $0x800  }
.LBB2_6:
0x37: {  	s20 =	sshra.s32 s19, $0x2;
	[sflag:s13] =	ssyncset.done $0x0;
	p0 =	sne.s32 s19, $0x9C00  }
.Ltmp2:
0x38: {  	s20 =	sadd.s32 $0x2800, s20;
	[sflag:s13] =	ssyncadd.s32 $0xFFFFF800;
	(pc) =	sbr.rel @p0 .LBB2_6-.Ltmp2, $3  }
0x39: {  	[spmem:s2] =	stream.indirect.scatter.add.f32 [tilespmem:s16], [sflag:$0x1], $0x10, s20, s15, $0xb8;
	[tilespmem:$0xD000] =	vst v63  }
0x3a: {  	s19 =	sadd.s32 $0x200, s19;
	_ =	sdelay $0x1  }
0x3b: {  	_ =	swait.ge [sflag:s13], $0x800  }
0x3c: {  	[sflag:s13] =	ssyncset.done $0x0;
	s3 =	sadd.s32 $0x1, s3  }
0x3d: {  	[sflag:s13] =	ssyncadd.s32 $0xFFFFF800;
	p0 =	sne.s32 s3, s8  }
.Ltmp3:
0x3e: {  	[bflag:$0x0] =	sbarrier.arrive $0xFFFF;
	(pc) =	sbr.rel @p0 .LBB2_1-.Ltmp3, $4  }
0x3f: {  	[hbm:s7], [sflag:s17] =	dma.local [spmem:s18], $0x2800  }
0x40: {  	_ =	swait.ge [sflag:s13], $0x2800  }
0x41: {  	[sflag:s13] =	ssyncset.done $0x0  }
0x42: {  	[sflag:s13] =	ssyncadd.s32 $0xFFFFD800  }
0x43: {  	_ =	sfence.sel $0x180000  }
0x44: {  	[bflag:$0x0] =	sbarrier.arrive $0xFFFF  }
0x45: {  	p0 =	sne.s32 s0, $0x0;
	_ =	strace $0x90000047  }
0x46: {  	s0 =	sadd.s32 @!p0 $0x100000, s1;
	[bflag:$0x2] =	sbarrier.arrive $0xFFFF  }
0x47: {  	[sflag:s0] =	ssyncadd.tile.s32 @!p0 $0x1;
	_ =	shalt  }
.Lfunc_end2:
_tile_overlayer_lowered:
.L_overlay_start_2:
0x48: {  	(tag) =	ssettag $0x2  }
0x49: {  	s0 =	rddreg [dreg:$0x0];
	s2 =	stileid.u32  }
0x4a: {  	s1 =	rddreg [dreg:$0x1];
	p0 =	sne.s32 s2, $0x0  }
0x4b: {  	s3 =	rddreg [dreg:$0x2];
	[bflag:$0x3] =	sbarrier.arrive $0xFFFF;
	s2 =	simm.s32 @!p0 $0x1C01  }
0x4c: {  	[timem:s3], [sflag:s2] =	dma.local @!p0 [hbm:s0], s1  }
0x4d: {  	s0 =	simm.s32 @!p0 $0x1  }
0x4e: {  	_ =	swait.ge @!p0 [sflag:s0], s1  }
0x4f: {  	s1 =	ssub.s32 @!p0 $0x0, s1;
	[sflag:s0] =	ssyncset.done @!p0 $0x0  }
0x50: {  	[sflag:s0] =	ssyncadd.s32 @!p0 s1  }
0x51: {  	[bflag:$0x3] =	sbarrier.arrive $0xFFFF  }
0x52: {  	_ =	shalt  }

</sc_bundles>
